<compile_context>
chip_gen: v7x
topology: tpu7x:2x2x1
jax: 0.10.2.dev20260603
libtpu: 0.0.44.dev20260713+nightly
codegen_flags: <defaults>
</compile_context>

<pallas_src>
import functools

import jax
import jax.numpy as jnp
from jax import lax
from jax.experimental import pallas as pl
from jax.experimental.pallas import tpu as pltpu
from jax.experimental.pallas import tpu_sc as plsc

_D = 1024
_E = 16
_N = 8192
_BT = 2048
_GRID = _N // _BT
_CAP = 512.0
_ALPHA = 0.01
_TPW = _N // 32
_ONE_BITS = 0x3F800000


def _tc_router_body(x_ref, w_ref, b_ref, probs_ref, top_ref, idx_ref,
                    aux_ref, fs_ref, acc_ref):
    i = pl.program_id(0)
    x = x_ref[...]
    w = w_ref[...]
    logits = lax.dot_general(x, w, (((1,), (1,)), ((), ())),
                             preferred_element_type=jnp.float32)
    logits = logits + b_ref[...]
    mx = jnp.max(logits, axis=-1, keepdims=True)
    ex = jnp.exp(logits - mx)
    probs = ex / jnp.sum(ex, axis=-1, keepdims=True)
    probs_ref[...] = probs

    tp = jnp.max(probs, axis=-1, keepdims=True)
    eid = lax.broadcasted_iota(jnp.int32, probs.shape, 1)
    amax = jnp.min(jnp.where(probs == tp, eid, _E), axis=-1, keepdims=True)
    amax = jnp.minimum(amax, _E - 1)
    top_ref[...] = tp
    idx_ref[...] = amax

    @pl.when(i == 0)
    def _():
        acc_ref[...] = jnp.zeros_like(acc_ref)

    onehot = (eid == amax).astype(jnp.float32)
    acc_ref[0:1, :] += jnp.sum(onehot * tp, axis=0, keepdims=True)
    acc_ref[1:2, :] += jnp.sum(probs, axis=0, keepdims=True)

    @pl.when(i == _GRID - 1)
    def _():
        aux_ref[...] = (_ALPHA * _E / (float(_N) * float(_N))) * jnp.sum(
            acc_ref[0:1, :] * acc_ref[1:2, :], axis=-1, keepdims=True)
        fs_ref[...] = acc_ref[0:1, :]


def _tc_router(xf, W, b2):
    return pl.pallas_call(
        _tc_router_body,
        grid=(_GRID,),
        in_specs=[
            pl.BlockSpec((_BT, _D), lambda i: (i, 0)),
            pl.BlockSpec((_E, _D), lambda i: (0, 0)),
            pl.BlockSpec((1, _E), lambda i: (0, 0)),
        ],
        out_specs=[
            pl.BlockSpec((_BT, _E), lambda i: (i, 0)),
            pl.BlockSpec((_BT, 1), lambda i: (i, 0)),
            pl.BlockSpec((_BT, 1), lambda i: (i, 0)),
            pl.BlockSpec((1, 1), lambda i: (0, 0)),
            pl.BlockSpec((1, _E), lambda i: (0, 0)),
        ],
        out_shape=[
            jax.ShapeDtypeStruct((_N, _E), jnp.float32),
            jax.ShapeDtypeStruct((_N, 1), jnp.float32),
            jax.ShapeDtypeStruct((_N, 1), jnp.int32),
            jax.ShapeDtypeStruct((1, 1), jnp.float32),
            jax.ShapeDtypeStruct((1, _E), jnp.float32),
        ],
        scratch_shapes=[pltpu.VMEM((2, _E), jnp.float32)],
    )(xf, W, b2)


def _sc_capacity_body(fs_hbm, top_hbm, idx_hbm, probs_hbm, out_hbm,
                      p_l, e_l, cv, ci, pr_l, out_l, tv_l, tc_l,
                      row_f, row_i, fs_l, sh_v, sh_c, sem_a, sem_b):
    cid = lax.axis_index("c")
    sid = lax.axis_index("s")
    wid = sid * 2 + cid
    base = wid * _TPW

    cp0 = pltpu.async_copy(fs_hbm, fs_l, sem_a)
    cp3 = pltpu.async_copy(
        probs_hbm.at[pl.ds(base * _E, _TPW * _E)], pr_l, sem_b)
    cp0.wait()

    fsv = fs_l[...]
    n_over = plsc.all_reduce_population_count(fsv > _CAP - 0.5)[0]
    cp3.wait()

    @pl.when(n_over == 0)
    def _fast_path():
        pltpu.sync_copy(pr_l, out_hbm.at[pl.ds(base * _E, _TPW * _E)])

    @pl.when(n_over > 0)
    def _slow_path():
        cp1 = pltpu.async_copy(top_hbm, p_l, sem_a)
        cp2 = pltpu.async_copy(idx_hbm, e_l, sem_a)
        cp1.wait()
        cp2.wait()
        lane = lax.iota(jnp.int32, 16)
        my_total = plsc.load_gather(
            fs_l, [jnp.full((16,), sid, jnp.int32)])[0]
        overload = my_total > _CAP - 0.5

        @pl.when(jnp.logical_not(overload))
        def _():
            row_f[...] = jnp.zeros((16,), jnp.float32)
            row_i[...] = jnp.full((16,), _N, jnp.int32)

        @pl.when(overload)
        def _():
            _sc_threshold_search(sid, lane, p_l, e_l, cv, ci, row_f, row_i)

        pltpu.sync_copy(row_f, sh_v.at[pl.ds(sid * 16, 16)])
        pltpu.sync_copy(row_i, sh_c.at[pl.ds(sid * 16, 16)])
        plsc.subcore_barrier()
        pltpu.sync_copy(sh_v, tv_l)
        pltpu.sync_copy(sh_c, tc_l)

        def grp_body(g, carry):
            pv = p_l[pl.ds(base + g * 16, 16)]
            ev = e_l[pl.ds(base + g * 16, 16)]
            vstars = plsc.load_gather(tv_l, [ev * 16])
            ccts = plsc.load_gather(tc_l, [ev * 16])
            tok = base + g * 16 + lane
            keep = (pv > vstars) | ((pv == vstars) & (tok <= ccts))
            kf = jnp.where(keep, 1.0, 0.0)
            for j in range(16):
                off = (g * 16 + j) * _E
                out_l[pl.ds(off, 16)] = pr_l[pl.ds(off, 16)] * kf[j]
            return carry
        lax.fori_loop(0, _TPW // 16, grp_body, 0)

        pltpu.sync_copy(out_l, out_hbm.at[pl.ds(base * _E, _TPW * _E)])


def _sc_threshold_search(sid, lane, p_l, e_l, cv, ci, row_f, row_i):
    def compact_body(k, cnt_vec):
        pv = p_l[pl.ds(k * 16, 16)]
        ev = e_l[pl.ds(k * 16, 16)]
        msk = ev == sid
        csum = jnp.cumsum(jnp.where(msk, 1.0, 0.0))
        tgt = cnt_vec + csum.astype(jnp.int32) - 1
        plsc.store_scatter(cv, [tgt], pv, mask=msk)
        plsc.store_scatter(ci, [tgt], k * 16 + lane, mask=msk)
        return cnt_vec + plsc.all_reduce_population_count(msk)
    cnt_vec = lax.fori_loop(0, _N // 16, compact_body,
                            jnp.zeros((16,), jnp.int32), unroll=4)
    cnt = cnt_vec[0]

    for z in range(4):
        cv[pl.ds(cnt + z * 16, 16)] = jnp.zeros((16,), jnp.float32)
        ci[pl.ds(cnt + z * 16, 16)] = jnp.zeros((16,), jnp.int32)
    nv4 = lax.shift_right_logical(cnt + 63, 6)

    def masked_sum_gt(v):
        def body(k, accs):
            a0, a1, a2, a3 = accs
            x0 = cv[pl.ds(k * 64, 16)]
            x1 = cv[pl.ds(k * 64 + 16, 16)]
            x2 = cv[pl.ds(k * 64 + 32, 16)]
            x3 = cv[pl.ds(k * 64 + 48, 16)]
            return (a0 + jnp.where(x0 > v, x0, 0.0),
                    a1 + jnp.where(x1 > v, x1, 0.0),
                    a2 + jnp.where(x2 > v, x2, 0.0),
                    a3 + jnp.where(x3 > v, x3, 0.0))
        z = jnp.zeros((16,), jnp.float32)
        a0, a1, a2, a3 = lax.fori_loop(0, nv4, body, (z, z, z, z))
        return jnp.sum((a0 + a1) + (a2 + a3))

    def search_body(_, lohi):
        lo, hi = lohi
        mid = lax.shift_right_logical(lo + hi, 1)
        v = lax.bitcast_convert_type(mid, jnp.float32)
        ok = masked_sum_gt(v) + v <= _CAP
        return (jnp.where(ok, lo, mid + 1), jnp.where(ok, mid, hi))
    _, hi = lax.fori_loop(
        0, 31, search_body, (jnp.int32(0), jnp.int32(_ONE_BITS)))
    vstar = lax.bitcast_convert_type(hi, jnp.float32)
    gsum = masked_sum_gt(vstar)

    def tie_body(_, lohi):
        lo2, hi2 = lohi
        mid2 = lax.shift_right_logical(lo2 + hi2 + 1, 1)

        def cbody(k, accs):
            a0, a1, a2, a3 = accs
            x0 = cv[pl.ds(k * 64, 16)]
            x1 = cv[pl.ds(k * 64 + 16, 16)]
            x2 = cv[pl.ds(k * 64 + 32, 16)]
            x3 = cv[pl.ds(k * 64 + 48, 16)]
            i0 = ci[pl.ds(k * 64, 16)]
            i1 = ci[pl.ds(k * 64 + 16, 16)]
            i2 = ci[pl.ds(k * 64 + 32, 16)]
            i3 = ci[pl.ds(k * 64 + 48, 16)]
            return (a0 + jnp.where((x0 == vstar) & (i0 <= mid2), 1.0, 0.0),
                    a1 + jnp.where((x1 == vstar) & (i1 <= mid2), 1.0, 0.0),
                    a2 + jnp.where((x2 == vstar) & (i2 <= mid2), 1.0, 0.0),
                    a3 + jnp.where((x3 == vstar) & (i3 <= mid2), 1.0, 0.0))
        z = jnp.zeros((16,), jnp.float32)
        a0, a1, a2, a3 = lax.fori_loop(0, nv4, cbody, (z, z, z, z))
        cnt2 = jnp.sum((a0 + a1) + (a2 + a3))
        ok2 = gsum + cnt2 * vstar <= _CAP
        return (jnp.where(ok2, mid2, lo2), jnp.where(ok2, hi2, mid2 - 1))
    cct, _ = lax.fori_loop(0, 14, tie_body,
                           (jnp.int32(0), jnp.int32(_N - 1)))
    cct = jnp.where(vstar > 0.0, cct, jnp.int32(_N))

    row_f[...] = jnp.full((16,), vstar, jnp.float32)
    row_i[...] = jnp.full((16,), cct, jnp.int32)


@functools.cache
def _make_sc_capacity():
    mesh = plsc.VectorSubcoreMesh(core_axis_name="c", subcore_axis_name="s")
    return pl.kernel(
        _sc_capacity_body,
        mesh=mesh,
        compiler_params=pltpu.CompilerParams(needs_layout_passes=False),
        out_type=jax.ShapeDtypeStruct((_N * _E,), jnp.float32),
        scratch_types=[
            pltpu.VMEM((_N,), jnp.float32),
            pltpu.VMEM((_N,), jnp.int32),
            pltpu.VMEM((_N + 64,), jnp.float32),
            pltpu.VMEM((_N + 64,), jnp.int32),
            pltpu.VMEM((_TPW * _E,), jnp.float32),
            pltpu.VMEM((_TPW * _E,), jnp.float32),
            pltpu.VMEM((_E * 16,), jnp.float32),
            pltpu.VMEM((_E * 16,), jnp.int32),
            pltpu.VMEM((16,), jnp.float32),
            pltpu.VMEM((16,), jnp.int32),
            pltpu.VMEM((_E,), jnp.float32),
            pltpu.VMEM_SHARED((_E * 16,), jnp.float32),
            pltpu.VMEM_SHARED((_E * 16,), jnp.int32),
            pltpu.SemaphoreType.DMA,
            pltpu.SemaphoreType.DMA,
        ],
    )


def kernel(x, W, b):
    B, S, D = x.shape
    E = W.shape[0]
    xf = x.reshape(B * S, D)
    probs, top, idx, aux, fs = _tc_router(xf, W, b.reshape(1, E))
    routed = _make_sc_capacity()(
        fs.reshape(_E), top.reshape(_N), idx.reshape(_N),
        probs.reshape(_N * _E))
    return routed.reshape(B, S, E), aux.reshape(())

# --- scband reference (transcript-rebuilt; emitter-appended) ---
"""Pipeline reference for scband-expert-allocation-70214125355035 (READ-ONLY COPY).

The authoritative reference and input builder live on the scoring server;
editing this copy changes nothing except your own understanding.
"""

import jax, jax.numpy as jnp
import numpy as np

INP_DIM = 1024
NUM_EXPERTS = 16
CAPACITY_FACTOR = 1.0
ALPHA = 0.01


def setup_inputs(seed: int = 0) -> dict:
    key = jax.random.key(seed)
    k1, k2, k3 = jax.random.split(key, 3)
    x = jax.random.normal(k1, (4, 2048, INP_DIM), dtype=jnp.float32)
    # nn.Linear(inp_dim, num_experts): W shape (out, in), b shape (out,)
    bound = 1.0 / np.sqrt(INP_DIM)
    W = jax.random.uniform(k2, (NUM_EXPERTS, INP_DIM), dtype=jnp.float32, minval=-bound, maxval=bound)
    b = jax.random.uniform(k3, (NUM_EXPERTS,), dtype=jnp.float32, minval=-bound, maxval=bound)
    return {"x": x, "W": W, "b": b}


def reference(x, W, b):
    E = W.shape[0]
    B, S = x.shape[0], x.shape[1]
    total_tokens = B * S
    expert_capacity = int(total_tokens / E * CAPACITY_FACTOR)

    # Router: linear + softmax
    logits = jnp.einsum('bsd,ed->bse', x, W) + b
    expert_probs = jax.nn.softmax(logits, axis=-1)

    # top-1 routing: scatter max prob into one-hot slot
    top_indices = jnp.argmax(expert_probs, axis=-1)
    top_probs = jnp.max(expert_probs, axis=-1, keepdims=True)
    routed_experts = jax.nn.one_hot(top_indices, E, dtype=expert_probs.dtype) * top_probs

    # aux load-balancing loss
    f_i = routed_experts.sum(axis=(0, 1)) / total_tokens
    P_i = expert_probs.sum(axis=(0, 1)) / total_tokens
    aux_loss = ALPHA * E * jnp.sum(f_i * P_i)

    # capacity enforcement: full descending sort per expert column
    flat_routed = routed_experts.reshape(-1, E)
    sort_indices = jnp.argsort(-flat_routed, axis=0)
    sorted_probs = jnp.take_along_axis(flat_routed, sort_indices, axis=0)
    cumulative_allocation = jnp.cumsum(sorted_probs, axis=0)
    capacity_mask = (cumulative_allocation <= expert_capacity).astype(flat_routed.dtype)
    kept = capacity_mask * sorted_probs

    # scatter back along dim 0: out[sort_indices[i, j], j] = kept[i, j]
    cols = jnp.arange(E)[None, :]
    unsorted = jnp.zeros_like(flat_routed).at[sort_indices, cols].set(kept)
    routed_experts2 = unsorted.reshape(expert_probs.shape)

    assigned_tokens = routed_experts2.sum(axis=-1) > 0
    routed_expert_probs = expert_probs * assigned_tokens[..., None].astype(expert_probs.dtype)
    return routed_expert_probs, aux_loss

if __name__ == "__main__":
    import jax
    _d = setup_inputs()
    print(jax.jit(kernel)(*tuple(_d.values())))

</pallas_src>

<mosaic_0001>
#map = affine_map<(d0, d1) -> (0)>
module attributes {stable_mosaic.version = 14 : i64} {
  func.func @_sc_capacity_body(%arg0: i32, %arg1: i32, %arg2: memref<16xf32, #tpu.memory_space<hbm>>, %arg3: memref<8192xf32, #tpu.memory_space<hbm>>, %arg4: memref<8192xi32, #tpu.memory_space<hbm>>, %arg5: memref<131072xf32, #tpu.memory_space<hbm>>, %arg6: memref<131072xf32, #tpu.memory_space<hbm>>, %arg7: memref<8192xf32, #tpu.memory_space<vmem>>, %arg8: memref<8192xi32, #tpu.memory_space<vmem>>, %arg9: memref<8256xf32, #tpu.memory_space<vmem>>, %arg10: memref<8256xi32, #tpu.memory_space<vmem>>, %arg11: memref<4096xf32, #tpu.memory_space<vmem>>, %arg12: memref<4096xf32, #tpu.memory_space<vmem>>, %arg13: memref<256xf32, #tpu.memory_space<vmem>>, %arg14: memref<256xi32, #tpu.memory_space<vmem>>, %arg15: memref<16xf32, #tpu.memory_space<vmem>>, %arg16: memref<16xi32, #tpu.memory_space<vmem>>, %arg17: memref<16xf32, #tpu.memory_space<vmem>>, %arg18: memref<256xf32, #tpu.memory_space<vmem_shared>>, %arg19: memref<256xi32, #tpu.memory_space<vmem_shared>>, %arg20: memref<!tpu.dma_semaphore, #tpu.memory_space<semaphore_mem>>, %arg21: memref<!tpu.dma_semaphore, #tpu.memory_space<semaphore_mem>>) attributes {dimension_semantics = [#tpu.dimension_semantics<core_parallel>, #tpu.dimension_semantics<subcore_parallel>], iteration_bounds = array<i64: 2, 16>, scalar_prefetch = 0 : i64, scratch_operands = 15 : i64, tpu.core_type = #tpu.core_type<sc_vector_subcore>, window_params = [{transform_indices = #map}, {transform_indices = #map}, {transform_indices = #map}, {transform_indices = #map}, {transform_indices = #map}]} {
    %mul3A = arith.constant 2 : i32
    %mul3A_0 = arith.muli %arg1, %mul3A : i32
    %add3A = arith.addi %mul3A_0, %arg0 : i32
    %mul3A_1 = arith.constant 256 : i32
    %mul3A_2 = arith.muli %add3A, %mul3A_1 : i32
    tpu.enqueue_dma source(%arg2 : memref<16xf32, #tpu.memory_space<hbm>>) target(%arg17 : memref<16xf32, #tpu.memory_space<vmem>>) target_semaphore(%arg20 : memref<!tpu.dma_semaphore, #tpu.memory_space<semaphore_mem>>)
    %mul3A_3 = arith.constant 16 : i32
    %mul3A_4 = arith.muli %mul3A_2, %mul3A_3 : i32
    %dma_start3A = tpu.memref_slice %arg5[%mul3A_4] : memref<131072xf32, #tpu.memory_space<hbm>> -> memref<4096xf32, #tpu.memory_space<hbm>>
    %dma_start3A_5 = tpu.memref_slice %arg5[%mul3A_4] : memref<131072xf32, #tpu.memory_space<hbm>> -> memref<4096xf32, #tpu.memory_space<hbm>>
    tpu.enqueue_dma source(%dma_start3A_5 : memref<4096xf32, #tpu.memory_space<hbm>>) target(%arg11 : memref<4096xf32, #tpu.memory_space<vmem>>) target_semaphore(%arg21 : memref<!tpu.dma_semaphore, #tpu.memory_space<semaphore_mem>>)
    tpu.wait_dma2 semaphore(%arg20 : memref<!tpu.dma_semaphore, #tpu.memory_space<semaphore_mem>>) src(%arg2 : memref<16xf32, #tpu.memory_space<hbm>>) dst(%arg17 : memref<16xf32, #tpu.memory_space<vmem>>)
    %get3A = arith.constant 0 : index
    %get3A_6 = tpu.vector_load %arg17[%get3A] {strides = array<i32>} : memref<16xf32, #tpu.memory_space<vmem>>, vector<16xf32>,
    %gt3A = arith.constant 5.115000e+02 : f32
    %gt3A_7 = vector.broadcast %gt3A : f32 to vector<16xf32>
    %gt3A_8 = arith.cmpf ogt, %get3A_6, %gt3A_7 : vector<16xf32>
    %all_reduce_population_count3A = tpu.all_reduce %gt3A_8 {dim = 0 : i64, kind = #tpu.reduction_kind<sum>} : vector<16xi1> -> vector<16xi32>
    %slice3A = vector.extract_strided_slice %all_reduce_population_count3A {offsets = [0], sizes = [1], strides = [1]} : vector<16xi32> to vector<1xi32>
    %squeeze3A = vector.extract %slice3A[0] : i32 from vector<1xi32>
    %dma_wait3A = tpu.memref_slice %arg5[%mul3A_4] : memref<131072xf32, #tpu.memory_space<hbm>> -> memref<4096xf32, #tpu.memory_space<hbm>>
    %dma_wait3A_9 = tpu.memref_slice %arg5[%mul3A_4] : memref<131072xf32, #tpu.memory_space<hbm>> -> memref<4096xf32, #tpu.memory_space<hbm>>
    tpu.wait_dma2 semaphore(%arg21 : memref<!tpu.dma_semaphore, #tpu.memory_space<semaphore_mem>>) src(%dma_wait3A_9 : memref<4096xf32, #tpu.memory_space<hbm>>) dst(%arg11 : memref<4096xf32, #tpu.memory_space<vmem>>)
    %eq3A = arith.constant 0 : i32
    %eq3A_10 = arith.cmpi eq, %squeeze3A, %eq3A : i32
    %convert_element_type3A = arith.extui %eq3A_10 : i1 to i32
    %cond3A = arith.constant 0 : i32
    %cond3A_11 = arith.cmpi ne, %convert_element_type3A, %cond3A : i32
    scf.if %cond3A_11 {
      %mul3A_17 = arith.constant 16 : i32
      %mul3A_18 = arith.muli %mul3A_2, %mul3A_17 : i32
      "tpu.region"() ({
        %run_scoped3A = tpu.sem_alloc : memref<!tpu.dma_semaphore, #tpu.memory_space<semaphore_mem>>
        %dma_start3A_19 = tpu.memref_slice %arg6[%mul3A_18] : memref<131072xf32, #tpu.memory_space<hbm>> -> memref<4096xf32, #tpu.memory_space<hbm>>
        %dma_start3A_20 = tpu.memref_slice %arg6[%mul3A_18] : memref<131072xf32, #tpu.memory_space<hbm>> -> memref<4096xf32, #tpu.memory_space<hbm>>
        tpu.enqueue_dma source(%arg11 : memref<4096xf32, #tpu.memory_space<vmem>>) target(%dma_start3A_20 : memref<4096xf32, #tpu.memory_space<hbm>>) target_semaphore(%run_scoped3A : memref<!tpu.dma_semaphore, #tpu.memory_space<semaphore_mem>>)
        %dma_wait3A_21 = tpu.memref_slice %arg6[%mul3A_18] : memref<131072xf32, #tpu.memory_space<hbm>> -> memref<4096xf32, #tpu.memory_space<hbm>>
        %dma_wait3A_22 = tpu.memref_slice %arg6[%mul3A_18] : memref<131072xf32, #tpu.memory_space<hbm>> -> memref<4096xf32, #tpu.memory_space<hbm>>
        tpu.wait_dma2 semaphore(%run_scoped3A : memref<!tpu.dma_semaphore, #tpu.memory_space<semaphore_mem>>) src(%arg11 : memref<4096xf32, #tpu.memory_space<vmem>>) dst(%dma_wait3A_22 : memref<4096xf32, #tpu.memory_space<hbm>>)
        tpu.yield
      }) : () -> ()
    } else {
    }
    %gt3A_12 = arith.constant 0 : i32
    %gt3A_13 = arith.cmpi sgt, %squeeze3A, %gt3A_12 : i32
    %convert_element_type3A_14 = arith.extui %gt3A_13 : i1 to i32
    %cond3A_15 = arith.constant 0 : i32
    %cond3A_16 = arith.cmpi ne, %convert_element_type3A_14, %cond3A_15 : i32
    scf.if %cond3A_16 {
      tpu.enqueue_dma source(%arg3 : memref<8192xf32, #tpu.memory_space<hbm>>) target(%arg7 : memref<8192xf32, #tpu.memory_space<vmem>>) target_semaphore(%arg20 : memref<!tpu.dma_semaphore, #tpu.memory_space<semaphore_mem>>)
      tpu.enqueue_dma source(%arg4 : memref<8192xi32, #tpu.memory_space<hbm>>) target(%arg8 : memref<8192xi32, #tpu.memory_space<vmem>>) target_semaphore(%arg20 : memref<!tpu.dma_semaphore, #tpu.memory_space<semaphore_mem>>)
      tpu.wait_dma2 semaphore(%arg20 : memref<!tpu.dma_semaphore, #tpu.memory_space<semaphore_mem>>) src(%arg3 : memref<8192xf32, #tpu.memory_space<hbm>>) dst(%arg7 : memref<8192xf32, #tpu.memory_space<vmem>>)
      tpu.wait_dma2 semaphore(%arg20 : memref<!tpu.dma_semaphore, #tpu.memory_space<semaphore_mem>>) src(%arg4 : memref<8192xi32, #tpu.memory_space<hbm>>) dst(%arg8 : memref<8192xi32, #tpu.memory_space<vmem>>)
      %iota3A = tpu.iota {dimensions = array<i32: 0>} : vector<16xi32>
      %broadcast_in_dim3A = vector.broadcast %arg1 : i32 to vector<16xi32>
      %gather3A = tpu.vector_load_idx %arg17[%broadcast_in_dim3A] : memref<16xf32, #tpu.memory_space<vmem>>[vector<16xi32>], vector<16xf32>,
      %slice3A_17 = vector.extract_strided_slice %gather3A {offsets = [0], sizes = [1], strides = [1]} : vector<16xf32> to vector<1xf32>
      %squeeze3A_18 = vector.extract %slice3A_17[0] : f32 from vector<1xf32>
      %gt3A_19 = arith.constant 5.115000e+02 : f32
      %gt3A_20 = arith.cmpf ogt, %squeeze3A_18, %gt3A_19 : f32
      %not3A = arith.constant true
      %not3A_21 = arith.xori %gt3A_20, %not3A : i1
      %convert_element_type3A_22 = arith.extui %not3A_21 : i1 to i32
      %cond3A_23 = arith.constant 0 : i32
      %cond3A_24 = arith.cmpi ne, %convert_element_type3A_22, %cond3A_23 : i32
      scf.if %cond3A_24 {
        %broadcast_in_dim3A_39 = arith.constant 0.000000e+00 : f32
        %broadcast_in_dim3A_40 = vector.broadcast %broadcast_in_dim3A_39 : f32 to vector<16xf32>
        %swap3A = arith.constant 0 : index
        %swap3A_41 = tpu.vector_load %arg15[%swap3A] {strides = array<i32>} : memref<16xf32, #tpu.memory_space<vmem>>, vector<16xf32>,
        tpu.vector_store %arg15[%swap3A], %broadcast_in_dim3A_40 {strides = array<i32>} : memref<16xf32, #tpu.memory_space<vmem>>, vector<16xf32>,
        %broadcast_in_dim3A_42 = arith.constant 8192 : i32
        %broadcast_in_dim3A_43 = vector.broadcast %broadcast_in_dim3A_42 : i32 to vector<16xi32>
        %swap3A_44 = arith.constant 0 : index
        %swap3A_45 = tpu.vector_load %arg16[%swap3A_44] {strides = array<i32>} : memref<16xi32, #tpu.memory_space<vmem>>, vector<16xi32>,
        tpu.vector_store %arg16[%swap3A_44], %broadcast_in_dim3A_43 {strides = array<i32>} : memref<16xi32, #tpu.memory_space<vmem>>, vector<16xi32>,
      } else {
      }
      %convert_element_type3A_25 = arith.extui %gt3A_20 : i1 to i32
      %cond3A_26 = arith.constant 0 : i32
      %cond3A_27 = arith.cmpi ne, %convert_element_type3A_25, %cond3A_26 : i32
      scf.if %cond3A_27 {
        %broadcast_in_dim3A_39 = arith.constant 0 : i32
        %broadcast_in_dim3A_40 = vector.broadcast %broadcast_in_dim3A_39 : i32 to vector<16xi32>
        %scan3A_41 = arith.constant 0 : i32
        %scan3A_42 = arith.constant 512 : i32
        %scan3A_43 = arith.addi %scan3A_41, %scan3A_42 : i32
        %scan3A_44 = arith.constant 4 : i32
        %scan3A_45 = scf.for %scan3A_141 = %scan3A_41 to %scan3A_43 step %scan3A_44 iter_args(%scan3A_142 = %broadcast_in_dim3A_40) -> (vector<16xi32>)  : i32 {
          %mul3A_143 = arith.constant 16 : i32
          %mul3A_144 = arith.muli %scan3A_141, %mul3A_143 : i32
          %get3A_145 = arith.index_cast %mul3A_144 : i32 to index
          %get3A_146 = tpu.vector_load %arg7[%get3A_145] {strides = array<i32>} : memref<8192xf32, #tpu.memory_space<vmem>>, vector<16xf32>,
          %mul3A_147 = arith.constant 16 : i32
          %mul3A_148 = arith.muli %scan3A_141, %mul3A_147 : i32
          %get3A_149 = arith.index_cast %mul3A_148 : i32 to index
          %get3A_150 = tpu.vector_load %arg8[%get3A_149] {strides = array<i32>} : memref<8192xi32, #tpu.memory_space<vmem>>, vector<16xi32>,
          %eq3A_151 = vector.broadcast %arg1 : i32 to vector<16xi32>
          %eq3A_152 = arith.cmpi eq, %get3A_150, %eq3A_151 : vector<16xi32>
          %jit3A_153 = arith.constant 1.000000e+00 : f32
          %jit3A_154 = arith.constant 0.000000e+00 : f32
          %broadcast_in_dim3A_155 = vector.broadcast %jit3A_153 : f32 to vector<16xf32>
          %broadcast_in_dim3A_156 = vector.broadcast %jit3A_154 : f32 to vector<16xf32>
          %select_n3A_157 = arith.select %eq3A_152, %broadcast_in_dim3A_155, %broadcast_in_dim3A_156 : vector<16xi1>, vector<16xf32>
          %cumsum3A = arith.constant true
          %cumsum3A_158 = vector.broadcast %cumsum3A : i1 to vector<16xi1>
          %cumsum3A_159 = tpu.scan <sum>, %select_n3A_157 masked %cumsum3A_158 : vector<16xf32>, vector<16xi1> -> vector<16xf32>
          %convert_element_type3A_160 = arith.fptosi %cumsum3A_159 : vector<16xf32> to vector<16xi32>
          %add3A_161 = arith.addi %scan3A_142, %convert_element_type3A_160 : vector<16xi32>
          %sub3A = arith.constant 1 : i32
          %sub3A_162 = vector.broadcast %sub3A : i32 to vector<16xi32>
          %sub3A_163 = arith.subi %add3A_161, %sub3A_162 : vector<16xi32>
          tpu.vector_store_idx %arg9[%sub3A_163], %get3A_146 masked %eq3A_152 : memref<8256xf32, #tpu.memory_space<vmem>>[vector<16xi32>], vector<16xf32>, vector<16xi1>
          %mul3A_164 = arith.constant 16 : i32
          %mul3A_165 = arith.muli %scan3A_141, %mul3A_164 : i32
          %add3A_166 = vector.broadcast %mul3A_165 : i32 to vector<16xi32>
          %add3A_167 = arith.addi %add3A_166, %iota3A : vector<16xi32>
          tpu.vector_store_idx %arg10[%sub3A_163], %add3A_167 masked %eq3A_152 : memref<8256xi32, #tpu.memory_space<vmem>>[vector<16xi32>], vector<16xi32>, vector<16xi1>
          %all_reduce_population_count3A_168 = tpu.all_reduce %eq3A_152 {dim = 0 : i64, kind = #tpu.reduction_kind<sum>} : vector<16xi1> -> vector<16xi32>
          %add3A_169 = arith.addi %scan3A_142, %all_reduce_population_count3A_168 : vector<16xi32>
          %scan3A_170 = arith.constant 1 : i32
          %scan3A_171 = arith.addi %scan3A_141, %scan3A_170 : i32
          %mul3A_172 = arith.constant 16 : i32
          %mul3A_173 = arith.muli %scan3A_171, %mul3A_172 : i32
          %get3A_174 = arith.index_cast %mul3A_173 : i32 to index
          %get3A_175 = tpu.vector_load %arg7[%get3A_174] {strides = array<i32>} : memref<8192xf32, #tpu.memory_space<vmem>>, vector<16xf32>,
          %mul3A_176 = arith.constant 16 : i32
          %mul3A_177 = arith.muli %scan3A_171, %mul3A_176 : i32
          %get3A_178 = arith.index_cast %mul3A_177 : i32 to index
          %get3A_179 = tpu.vector_load %arg8[%get3A_178] {strides = array<i32>} : memref<8192xi32, #tpu.memory_space<vmem>>, vector<16xi32>,
          %eq3A_180 = vector.broadcast %arg1 : i32 to vector<16xi32>
          %eq3A_181 = arith.cmpi eq, %get3A_179, %eq3A_180 : vector<16xi32>
          %jit3A_182 = arith.constant 1.000000e+00 : f32
          %jit3A_183 = arith.constant 0.000000e+00 : f32
          %broadcast_in_dim3A_184 = vector.broadcast %jit3A_182 : f32 to vector<16xf32>
          %broadcast_in_dim3A_185 = vector.broadcast %jit3A_183 : f32 to vector<16xf32>
          %select_n3A_186 = arith.select %eq3A_181, %broadcast_in_dim3A_184, %broadcast_in_dim3A_185 : vector<16xi1>, vector<16xf32>
          %cumsum3A_187 = arith.constant true
          %cumsum3A_188 = vector.broadcast %cumsum3A_187 : i1 to vector<16xi1>
          %cumsum3A_189 = tpu.scan <sum>, %select_n3A_186 masked %cumsum3A_188 : vector<16xf32>, vector<16xi1> -> vector<16xf32>
          %convert_element_type3A_190 = arith.fptosi %cumsum3A_189 : vector<16xf32> to vector<16xi32>
          %add3A_191 = arith.addi %add3A_169, %convert_element_type3A_190 : vector<16xi32>
          %sub3A_192 = arith.constant 1 : i32
          %sub3A_193 = vector.broadcast %sub3A_192 : i32 to vector<16xi32>
          %sub3A_194 = arith.subi %add3A_191, %sub3A_193 : vector<16xi32>
          tpu.vector_store_idx %arg9[%sub3A_194], %get3A_175 masked %eq3A_181 : memref<8256xf32, #tpu.memory_space<vmem>>[vector<16xi32>], vector<16xf32>, vector<16xi1>
          %mul3A_195 = arith.constant 16 : i32
          %mul3A_196 = arith.muli %scan3A_171, %mul3A_195 : i32
          %add3A_197 = vector.broadcast %mul3A_196 : i32 to vector<16xi32>
          %add3A_198 = arith.addi %add3A_197, %iota3A : vector<16xi32>
          tpu.vector_store_idx %arg10[%sub3A_194], %add3A_198 masked %eq3A_181 : memref<8256xi32, #tpu.memory_space<vmem>>[vector<16xi32>], vector<16xi32>, vector<16xi1>
          %all_reduce_population_count3A_199 = tpu.all_reduce %eq3A_181 {dim = 0 : i64, kind = #tpu.reduction_kind<sum>} : vector<16xi1> -> vector<16xi32>
          %add3A_200 = arith.addi %add3A_169, %all_reduce_population_count3A_199 : vector<16xi32>
          %scan3A_201 = arith.constant 2 : i32
          %scan3A_202 = arith.addi %scan3A_141, %scan3A_201 : i32
          %mul3A_203 = arith.constant 16 : i32
          %mul3A_204 = arith.muli %scan3A_202, %mul3A_203 : i32
          %get3A_205 = arith.index_cast %mul3A_204 : i32 to index
          %get3A_206 = tpu.vector_load %arg7[%get3A_205] {strides = array<i32>} : memref<8192xf32, #tpu.memory_space<vmem>>, vector<16xf32>,
          %mul3A_207 = arith.constant 16 : i32
          %mul3A_208 = arith.muli %scan3A_202, %mul3A_207 : i32
          %get3A_209 = arith.index_cast %mul3A_208 : i32 to index
          %get3A_210 = tpu.vector_load %arg8[%get3A_209] {strides = array<i32>} : memref<8192xi32, #tpu.memory_space<vmem>>, vector<16xi32>,
          %eq3A_211 = vector.broadcast %arg1 : i32 to vector<16xi32>
          %eq3A_212 = arith.cmpi eq, %get3A_210, %eq3A_211 : vector<16xi32>
          %jit3A_213 = arith.constant 1.000000e+00 : f32
          %jit3A_214 = arith.constant 0.000000e+00 : f32
          %broadcast_in_dim3A_215 = vector.broadcast %jit3A_213 : f32 to vector<16xf32>
          %broadcast_in_dim3A_216 = vector.broadcast %jit3A_214 : f32 to vector<16xf32>
          %select_n3A_217 = arith.select %eq3A_212, %broadcast_in_dim3A_215, %broadcast_in_dim3A_216 : vector<16xi1>, vector<16xf32>
          %cumsum3A_218 = arith.constant true
          %cumsum3A_219 = vector.broadcast %cumsum3A_218 : i1 to vector<16xi1>
          %cumsum3A_220 = tpu.scan <sum>, %select_n3A_217 masked %cumsum3A_219 : vector<16xf32>, vector<16xi1> -> vector<16xf32>
          %convert_element_type3A_221 = arith.fptosi %cumsum3A_220 : vector<16xf32> to vector<16xi32>
          %add3A_222 = arith.addi %add3A_200, %convert_element_type3A_221 : vector<16xi32>
          %sub3A_223 = arith.constant 1 : i32
          %sub3A_224 = vector.broadcast %sub3A_223 : i32 to vector<16xi32>
          %sub3A_225 = arith.subi %add3A_222, %sub3A_224 : vector<16xi32>
          tpu.vector_store_idx %arg9[%sub3A_225], %get3A_206 masked %eq3A_212 : memref<8256xf32, #tpu.memory_space<vmem>>[vector<16xi32>], vector<16xf32>, vector<16xi1>
          %mul3A_226 = arith.constant 16 : i32
          %mul3A_227 = arith.muli %scan3A_202, %mul3A_226 : i32
          %add3A_228 = vector.broadcast %mul3A_227 : i32 to vector<16xi32>
          %add3A_229 = arith.addi %add3A_228, %iota3A : vector<16xi32>
          tpu.vector_store_idx %arg10[%sub3A_225], %add3A_229 masked %eq3A_212 : memref<8256xi32, #tpu.memory_space<vmem>>[vector<16xi32>], vector<16xi32>, vector<16xi1>
          %all_reduce_population_count3A_230 = tpu.all_reduce %eq3A_212 {dim = 0 : i64, kind = #tpu.reduction_kind<sum>} : vector<16xi1> -> vector<16xi32>
          %add3A_231 = arith.addi %add3A_200, %all_reduce_population_count3A_230 : vector<16xi32>
          %scan3A_232 = arith.constant 3 : i32
          %scan3A_233 = arith.addi %scan3A_141, %scan3A_232 : i32
          %mul3A_234 = arith.constant 16 : i32
          %mul3A_235 = arith.muli %scan3A_233, %mul3A_234 : i32
          %get3A_236 = arith.index_cast %mul3A_235 : i32 to index
          %get3A_237 = tpu.vector_load %arg7[%get3A_236] {strides = array<i32>} : memref<8192xf32, #tpu.memory_space<vmem>>, vector<16xf32>,
          %mul3A_238 = arith.constant 16 : i32
          %mul3A_239 = arith.muli %scan3A_233, %mul3A_238 : i32
          %get3A_240 = arith.index_cast %mul3A_239 : i32 to index
          %get3A_241 = tpu.vector_load %arg8[%get3A_240] {strides = array<i32>} : memref<8192xi32, #tpu.memory_space<vmem>>, vector<16xi32>,
          %eq3A_242 = vector.broadcast %arg1 : i32 to vector<16xi32>
          %eq3A_243 = arith.cmpi eq, %get3A_241, %eq3A_242 : vector<16xi32>
          %jit3A_244 = arith.constant 1.000000e+00 : f32
          %jit3A_245 = arith.constant 0.000000e+00 : f32
          %broadcast_in_dim3A_246 = vector.broadcast %jit3A_244 : f32 to vector<16xf32>
          %broadcast_in_dim3A_247 = vector.broadcast %jit3A_245 : f32 to vector<16xf32>
          %select_n3A_248 = arith.select %eq3A_243, %broadcast_in_dim3A_246, %broadcast_in_dim3A_247 : vector<16xi1>, vector<16xf32>
          %cumsum3A_249 = arith.constant true
          %cumsum3A_250 = vector.broadcast %cumsum3A_249 : i1 to vector<16xi1>
          %cumsum3A_251 = tpu.scan <sum>, %select_n3A_248 masked %cumsum3A_250 : vector<16xf32>, vector<16xi1> -> vector<16xf32>
          %convert_element_type3A_252 = arith.fptosi %cumsum3A_251 : vector<16xf32> to vector<16xi32>
          %add3A_253 = arith.addi %add3A_231, %convert_element_type3A_252 : vector<16xi32>
          %sub3A_254 = arith.constant 1 : i32
          %sub3A_255 = vector.broadcast %sub3A_254 : i32 to vector<16xi32>
          %sub3A_256 = arith.subi %add3A_253, %sub3A_255 : vector<16xi32>
          tpu.vector_store_idx %arg9[%sub3A_256], %get3A_237 masked %eq3A_243 : memref<8256xf32, #tpu.memory_space<vmem>>[vector<16xi32>], vector<16xf32>, vector<16xi1>
          %mul3A_257 = arith.constant 16 : i32
          %mul3A_258 = arith.muli %scan3A_233, %mul3A_257 : i32
          %add3A_259 = vector.broadcast %mul3A_258 : i32 to vector<16xi32>
          %add3A_260 = arith.addi %add3A_259, %iota3A : vector<16xi32>
          tpu.vector_store_idx %arg10[%sub3A_256], %add3A_260 masked %eq3A_243 : memref<8256xi32, #tpu.memory_space<vmem>>[vector<16xi32>], vector<16xi32>, vector<16xi1>
          %all_reduce_population_count3A_261 = tpu.all_reduce %eq3A_243 {dim = 0 : i64, kind = #tpu.reduction_kind<sum>} : vector<16xi1> -> vector<16xi32>
          %add3A_262 = arith.addi %add3A_231, %all_reduce_population_count3A_261 : vector<16xi32>
          scf.yield %add3A_262 : vector<16xi32>
        }
        %scan3A_46 = arith.constant 512 : i32
        %slice3A_47 = vector.extract_strided_slice %scan3A_45 {offsets = [0], sizes = [1], strides = [1]} : vector<16xi32> to vector<1xi32>
        %squeeze3A_48 = vector.extract %slice3A_47[0] : i32 from vector<1xi32>
        %broadcast_in_dim3A_49 = arith.constant 0.000000e+00 : f32
        %broadcast_in_dim3A_50 = vector.broadcast %broadcast_in_dim3A_49 : f32 to vector<16xf32>
        %add3A_51 = arith.constant 0 : i32
        %add3A_52 = arith.addi %squeeze3A_48, %add3A_51 : i32
        %swap3A = arith.index_cast %add3A_52 : i32 to index
        %swap3A_53 = tpu.vector_load %arg9[%swap3A] {strides = array<i32>} : memref<8256xf32, #tpu.memory_space<vmem>>, vector<16xf32>,
        tpu.vector_store %arg9[%swap3A], %broadcast_in_dim3A_50 {strides = array<i32>} : memref<8256xf32, #tpu.memory_space<vmem>>, vector<16xf32>,
        %broadcast_in_dim3A_54 = arith.constant 0 : i32
        %broadcast_in_dim3A_55 = vector.broadcast %broadcast_in_dim3A_54 : i32 to vector<16xi32>
        %add3A_56 = arith.constant 0 : i32
        %add3A_57 = arith.addi %squeeze3A_48, %add3A_56 : i32
        %swap3A_58 = arith.index_cast %add3A_57 : i32 to index
        %swap3A_59 = tpu.vector_load %arg10[%swap3A_58] {strides = array<i32>} : memref<8256xi32, #tpu.memory_space<vmem>>, vector<16xi32>,
        tpu.vector_store %arg10[%swap3A_58], %broadcast_in_dim3A_55 {strides = array<i32>} : memref<8256xi32, #tpu.memory_space<vmem>>, vector<16xi32>,
        %broadcast_in_dim3A_60 = arith.constant 0.000000e+00 : f32
        %broadcast_in_dim3A_61 = vector.broadcast %broadcast_in_dim3A_60 : f32 to vector<16xf32>
        %add3A_62 = arith.constant 16 : i32
        %add3A_63 = arith.addi %squeeze3A_48, %add3A_62 : i32
        %swap3A_64 = arith.index_cast %add3A_63 : i32 to index
        %swap3A_65 = tpu.vector_load %arg9[%swap3A_64] {strides = array<i32>} : memref<8256xf32, #tpu.memory_space<vmem>>, vector<16xf32>,
        tpu.vector_store %arg9[%swap3A_64], %broadcast_in_dim3A_61 {strides = array<i32>} : memref<8256xf32, #tpu.memory_space<vmem>>, vector<16xf32>,
        %broadcast_in_dim3A_66 = arith.constant 0 : i32
        %broadcast_in_dim3A_67 = vector.broadcast %broadcast_in_dim3A_66 : i32 to vector<16xi32>
        %add3A_68 = arith.constant 16 : i32
        %add3A_69 = arith.addi %squeeze3A_48, %add3A_68 : i32
        %swap3A_70 = arith.index_cast %add3A_69 : i32 to index
        %swap3A_71 = tpu.vector_load %arg10[%swap3A_70] {strides = array<i32>} : memref<8256xi32, #tpu.memory_space<vmem>>, vector<16xi32>,
        tpu.vector_store %arg10[%swap3A_70], %broadcast_in_dim3A_67 {strides = array<i32>} : memref<8256xi32, #tpu.memory_space<vmem>>, vector<16xi32>,
        %broadcast_in_dim3A_72 = arith.constant 0.000000e+00 : f32
        %broadcast_in_dim3A_73 = vector.broadcast %broadcast_in_dim3A_72 : f32 to vector<16xf32>
        %add3A_74 = arith.constant 32 : i32
        %add3A_75 = arith.addi %squeeze3A_48, %add3A_74 : i32
        %swap3A_76 = arith.index_cast %add3A_75 : i32 to index
        %swap3A_77 = tpu.vector_load %arg9[%swap3A_76] {strides = array<i32>} : memref<8256xf32, #tpu.memory_space<vmem>>, vector<16xf32>,
        tpu.vector_store %arg9[%swap3A_76], %broadcast_in_dim3A_73 {strides = array<i32>} : memref<8256xf32, #tpu.memory_space<vmem>>, vector<16xf32>,
        %broadcast_in_dim3A_78 = arith.constant 0 : i32
        %broadcast_in_dim3A_79 = vector.broadcast %broadcast_in_dim3A_78 : i32 to vector<16xi32>
        %add3A_80 = arith.constant 32 : i32
        %add3A_81 = arith.addi %squeeze3A_48, %add3A_80 : i32
        %swap3A_82 = arith.index_cast %add3A_81 : i32 to index
        %swap3A_83 = tpu.vector_load %arg10[%swap3A_82] {strides = array<i32>} : memref<8256xi32, #tpu.memory_space<vmem>>, vector<16xi32>,
        tpu.vector_store %arg10[%swap3A_82], %broadcast_in_dim3A_79 {strides = array<i32>} : memref<8256xi32, #tpu.memory_space<vmem>>, vector<16xi32>,
        %broadcast_in_dim3A_84 = arith.constant 0.000000e+00 : f32
        %broadcast_in_dim3A_85 = vector.broadcast %broadcast_in_dim3A_84 : f32 to vector<16xf32>
        %add3A_86 = arith.constant 48 : i32
        %add3A_87 = arith.addi %squeeze3A_48, %add3A_86 : i32
        %swap3A_88 = arith.index_cast %add3A_87 : i32 to index
        %swap3A_89 = tpu.vector_load %arg9[%swap3A_88] {strides = array<i32>} : memref<8256xf32, #tpu.memory_space<vmem>>, vector<16xf32>,
        tpu.vector_store %arg9[%swap3A_88], %broadcast_in_dim3A_85 {strides = array<i32>} : memref<8256xf32, #tpu.memory_space<vmem>>, vector<16xf32>,
        %broadcast_in_dim3A_90 = arith.constant 0 : i32
        %broadcast_in_dim3A_91 = vector.broadcast %broadcast_in_dim3A_90 : i32 to vector<16xi32>
        %add3A_92 = arith.constant 48 : i32
        %add3A_93 = arith.addi %squeeze3A_48, %add3A_92 : i32
        %swap3A_94 = arith.index_cast %add3A_93 : i32 to index
        %swap3A_95 = tpu.vector_load %arg10[%swap3A_94] {strides = array<i32>} : memref<8256xi32, #tpu.memory_space<vmem>>, vector<16xi32>,
        tpu.vector_store %arg10[%swap3A_94], %broadcast_in_dim3A_91 {strides = array<i32>} : memref<8256xi32, #tpu.memory_space<vmem>>, vector<16xi32>,
        %add3A_96 = arith.constant 63 : i32
        %add3A_97 = arith.addi %squeeze3A_48, %add3A_96 : i32
        %shift_right_logical3A = arith.constant 6 : i32
        %shift_right_logical3A_98 = arith.shrui %add3A_97, %shift_right_logical3A : i32
        %scan3A_99 = arith.constant 0 : i32
        %scan3A_100 = arith.constant 1065353216 : i32
        %scan3A_101 = arith.constant 0 : i32
        %scan3A_102 = arith.constant 31 : i32
        %scan3A_103 = arith.addi %scan3A_101, %scan3A_102 : i32
        %scan3A_104 = arith.constant 1 : i32
        %scan3A_105:2 = scf.for %scan3A_141 = %scan3A_101 to %scan3A_103 step %scan3A_104 iter_args(%scan3A_142 = %scan3A_99, %scan3A_143 = %scan3A_100) -> (i32, i32)  : i32 {
          %add3A_144 = arith.addi %scan3A_142, %scan3A_143 : i32
          %shift_right_logical3A_145 = arith.constant 1 : i32
          %shift_right_logical3A_146 = arith.shrui %add3A_144, %shift_right_logical3A_145 : i32
          %bitcast_convert_type3A_147 = arith.bitcast %shift_right_logical3A_146 : i32 to f32
          %broadcast_in_dim3A_148 = arith.constant 0.000000e+00 : f32
          %broadcast_in_dim3A_149 = vector.broadcast %broadcast_in_dim3A_148 : f32 to vector<16xf32>
          %while3A_150 = arith.constant 0 : i32
          %while3A_151 = arith.subi %shift_right_logical3A_98, %while3A_150 : i32
          %while3A_152 = arith.addi %while3A_150, %while3A_151 : i32
          %while3A_153 = arith.constant 1 : i32
          %while3A_154 = arith.divsi %while3A_151, %while3A_153 : i32
          %while3A_155 = arith.muli %while3A_154, %while3A_153 : i32
          %while3A_156 = arith.addi %while3A_150, %while3A_155 : i32
          %while3A_157 = arith.constant 1 : i32
          %while3A_158:4 = scf.for %while3A_174 = %while3A_150 to %while3A_156 step %while3A_157 iter_args(%while3A_175 = %broadcast_in_dim3A_149, %while3A_176 = %broadcast_in_dim3A_149, %while3A_177 = %broadcast_in_dim3A_149, %while3A_178 = %broadcast_in_dim3A_149) -> (vector<16xf32>, vector<16xf32>, vector<16xf32>, vector<16xf32>)  : i32 {
            %mul3A_179 = arith.constant 64 : i32
            %mul3A_180 = arith.muli %while3A_174, %mul3A_179 : i32
            %get3A_181 = arith.index_cast %mul3A_180 : i32 to index
            %get3A_182 = tpu.vector_load %arg9[%get3A_181] {strides = array<i32>} : memref<8256xf32, #tpu.memory_space<vmem>>, vector<16xf32>,
            %mul3A_183 = arith.constant 64 : i32
            %mul3A_184 = arith.muli %while3A_174, %mul3A_183 : i32
            %add3A_185 = arith.constant 16 : i32
            %add3A_186 = arith.addi %mul3A_184, %add3A_185 : i32
            %get3A_187 = arith.index_cast %add3A_186 : i32 to index
            %get3A_188 = tpu.vector_load %arg9[%get3A_187] {strides = array<i32>} : memref<8256xf32, #tpu.memory_space<vmem>>, vector<16xf32>,
            %mul3A_189 = arith.constant 64 : i32
            %mul3A_190 = arith.muli %while3A_174, %mul3A_189 : i32
            %add3A_191 = arith.constant 32 : i32
            %add3A_192 = arith.addi %mul3A_190, %add3A_191 : i32
            %get3A_193 = arith.index_cast %add3A_192 : i32 to index
            %get3A_194 = tpu.vector_load %arg9[%get3A_193] {strides = array<i32>} : memref<8256xf32, #tpu.memory_space<vmem>>, vector<16xf32>,
            %mul3A_195 = arith.constant 64 : i32
            %mul3A_196 = arith.muli %while3A_174, %mul3A_195 : i32
            %add3A_197 = arith.constant 48 : i32
            %add3A_198 = arith.addi %mul3A_196, %add3A_197 : i32
            %get3A_199 = arith.index_cast %add3A_198 : i32 to index
            %get3A_200 = tpu.vector_load %arg9[%get3A_199] {strides = array<i32>} : memref<8256xf32, #tpu.memory_space<vmem>>, vector<16xf32>,
            %gt3A_201 = vector.broadcast %bitcast_convert_type3A_147 : f32 to vector<16xf32>
            %gt3A_202 = arith.cmpf ogt, %get3A_182, %gt3A_201 : vector<16xf32>
            %jit3A_203 = arith.constant 0.000000e+00 : f32
            %broadcast_in_dim3A_204 = vector.broadcast %jit3A_203 : f32 to vector<16xf32>
            %select_n3A_205 = arith.select %gt3A_202, %get3A_182, %broadcast_in_dim3A_204 : vector<16xi1>, vector<16xf32>
            %add3A_206 = arith.addf %while3A_175, %select_n3A_205 : vector<16xf32>
            %gt3A_207 = vector.broadcast %bitcast_convert_type3A_147 : f32 to vector<16xf32>
            %gt3A_208 = arith.cmpf ogt, %get3A_188, %gt3A_207 : vector<16xf32>
            %jit3A_209 = arith.constant 0.000000e+00 : f32
            %broadcast_in_dim3A_210 = vector.broadcast %jit3A_209 : f32 to vector<16xf32>
            %select_n3A_211 = arith.select %gt3A_208, %get3A_188, %broadcast_in_dim3A_210 : vector<16xi1>, vector<16xf32>
            %add3A_212 = arith.addf %while3A_176, %select_n3A_211 : vector<16xf32>
            %gt3A_213 = vector.broadcast %bitcast_convert_type3A_147 : f32 to vector<16xf32>
            %gt3A_214 = arith.cmpf ogt, %get3A_194, %gt3A_213 : vector<16xf32>
            %jit3A_215 = arith.constant 0.000000e+00 : f32
            %broadcast_in_dim3A_216 = vector.broadcast %jit3A_215 : f32 to vector<16xf32>
            %select_n3A_217 = arith.select %gt3A_214, %get3A_194, %broadcast_in_dim3A_216 : vector<16xi1>, vector<16xf32>
            %add3A_218 = arith.addf %while3A_177, %select_n3A_217 : vector<16xf32>
            %gt3A_219 = vector.broadcast %bitcast_convert_type3A_147 : f32 to vector<16xf32>
            %gt3A_220 = arith.cmpf ogt, %get3A_200, %gt3A_219 : vector<16xf32>
            %jit3A_221 = arith.constant 0.000000e+00 : f32
            %broadcast_in_dim3A_222 = vector.broadcast %jit3A_221 : f32 to vector<16xf32>
            %select_n3A_223 = arith.select %gt3A_220, %get3A_200, %broadcast_in_dim3A_222 : vector<16xi1>, vector<16xf32>
            %add3A_224 = arith.addf %while3A_178, %select_n3A_223 : vector<16xf32>
            scf.yield %add3A_206, %add3A_212, %add3A_218, %add3A_224 : vector<16xf32>, vector<16xf32>, vector<16xf32>, vector<16xf32>
          }
          %while3A_159 = arith.constant 1 : i32
          %while3A_160:4 = scf.for %while3A_174 = %while3A_156 to %while3A_152 step %while3A_159 iter_args(%while3A_175 = %while3A_158#0, %while3A_176 = %while3A_158#1, %while3A_177 = %while3A_158#2, %while3A_178 = %while3A_158#3) -> (vector<16xf32>, vector<16xf32>, vector<16xf32>, vector<16xf32>)  : i32 {
            %mul3A_179 = arith.constant 64 : i32
            %mul3A_180 = arith.muli %while3A_174, %mul3A_179 : i32
            %get3A_181 = arith.index_cast %mul3A_180 : i32 to index
            %get3A_182 = tpu.vector_load %arg9[%get3A_181] {strides = array<i32>} : memref<8256xf32, #tpu.memory_space<vmem>>, vector<16xf32>,
            %mul3A_183 = arith.constant 64 : i32
            %mul3A_184 = arith.muli %while3A_174, %mul3A_183 : i32
            %add3A_185 = arith.constant 16 : i32
            %add3A_186 = arith.addi %mul3A_184, %add3A_185 : i32
            %get3A_187 = arith.index_cast %add3A_186 : i32 to index
            %get3A_188 = tpu.vector_load %arg9[%get3A_187] {strides = array<i32>} : memref<8256xf32, #tpu.memory_space<vmem>>, vector<16xf32>,
            %mul3A_189 = arith.constant 64 : i32
            %mul3A_190 = arith.muli %while3A_174, %mul3A_189 : i32
            %add3A_191 = arith.constant 32 : i32
            %add3A_192 = arith.addi %mul3A_190, %add3A_191 : i32
            %get3A_193 = arith.index_cast %add3A_192 : i32 to index
            %get3A_194 = tpu.vector_load %arg9[%get3A_193] {strides = array<i32>} : memref<8256xf32, #tpu.memory_space<vmem>>, vector<16xf32>,
            %mul3A_195 = arith.constant 64 : i32
            %mul3A_196 = arith.muli %while3A_174, %mul3A_195 : i32
            %add3A_197 = arith.constant 48 : i32
            %add3A_198 = arith.addi %mul3A_196, %add3A_197 : i32
            %get3A_199 = arith.index_cast %add3A_198 : i32 to index
            %get3A_200 = tpu.vector_load %arg9[%get3A_199] {strides = array<i32>} : memref<8256xf32, #tpu.memory_space<vmem>>, vector<16xf32>,
            %gt3A_201 = vector.broadcast %bitcast_convert_type3A_147 : f32 to vector<16xf32>
            %gt3A_202 = arith.cmpf ogt, %get3A_182, %gt3A_201 : vector<16xf32>
            %jit3A_203 = arith.constant 0.000000e+00 : f32
            %broadcast_in_dim3A_204 = vector.broadcast %jit3A_203 : f32 to vector<16xf32>
            %select_n3A_205 = arith.select %gt3A_202, %get3A_182, %broadcast_in_dim3A_204 : vector<16xi1>, vector<16xf32>
            %add3A_206 = arith.addf %while3A_175, %select_n3A_205 : vector<16xf32>
            %gt3A_207 = vector.broadcast %bitcast_convert_type3A_147 : f32 to vector<16xf32>
            %gt3A_208 = arith.cmpf ogt, %get3A_188, %gt3A_207 : vector<16xf32>
            %jit3A_209 = arith.constant 0.000000e+00 : f32
            %broadcast_in_dim3A_210 = vector.broadcast %jit3A_209 : f32 to vector<16xf32>
            %select_n3A_211 = arith.select %gt3A_208, %get3A_188, %broadcast_in_dim3A_210 : vector<16xi1>, vector<16xf32>
            %add3A_212 = arith.addf %while3A_176, %select_n3A_211 : vector<16xf32>
            %gt3A_213 = vector.broadcast %bitcast_convert_type3A_147 : f32 to vector<16xf32>
            %gt3A_214 = arith.cmpf ogt, %get3A_194, %gt3A_213 : vector<16xf32>
            %jit3A_215 = arith.constant 0.000000e+00 : f32
            %broadcast_in_dim3A_216 = vector.broadcast %jit3A_215 : f32 to vector<16xf32>
            %select_n3A_217 = arith.select %gt3A_214, %get3A_194, %broadcast_in_dim3A_216 : vector<16xi1>, vector<16xf32>
            %add3A_218 = arith.addf %while3A_177, %select_n3A_217 : vector<16xf32>
            %gt3A_219 = vector.broadcast %bitcast_convert_type3A_147 : f32 to vector<16xf32>
            %gt3A_220 = arith.cmpf ogt, %get3A_200, %gt3A_219 : vector<16xf32>
            %jit3A_221 = arith.constant 0.000000e+00 : f32
            %broadcast_in_dim3A_222 = vector.broadcast %jit3A_221 : f32 to vector<16xf32>
            %select_n3A_223 = arith.select %gt3A_220, %get3A_200, %broadcast_in_dim3A_222 : vector<16xi1>, vector<16xf32>
            %add3A_224 = arith.addf %while3A_178, %select_n3A_223 : vector<16xf32>
            scf.yield %add3A_206, %add3A_212, %add3A_218, %add3A_224 : vector<16xf32>, vector<16xf32>, vector<16xf32>, vector<16xf32>
          }
          %add3A_161 = arith.addf %while3A_160#0, %while3A_160#1 : vector<16xf32>
          %add3A_162 = arith.addf %while3A_160#2, %while3A_160#3 : vector<16xf32>
          %add3A_163 = arith.addf %add3A_161, %add3A_162 : vector<16xf32>
          %reduce_sum3A_164 = arith.constant true
          %reduce_sum3A_165 = vector.broadcast %reduce_sum3A_164 : i1 to vector<16xi1>
          %reduce_sum3A_166 = tpu.scan <sum>, %add3A_163 masked %reduce_sum3A_165 : vector<16xf32>, vector<16xi1> -> vector<16xf32>
          %reduce_sum3A_167 = vector.extract %reduce_sum3A_166[15] : f32 from vector<16xf32>
          %add3A_168 = arith.addf %reduce_sum3A_167, %bitcast_convert_type3A_147 : f32
          %le3A = arith.constant 5.120000e+02 : f32
          %le3A_169 = arith.cmpf ole, %add3A_168, %le3A : f32
          %add3A_170 = arith.constant 1 : i32
          %add3A_171 = arith.addi %shift_right_logical3A_146, %add3A_170 : i32
          %select_n3A_172 = arith.select %le3A_169, %scan3A_142, %add3A_171 : i32
          %select_n3A_173 = arith.select %le3A_169, %shift_right_logical3A_146, %scan3A_143 : i32
          scf.yield %select_n3A_172, %select_n3A_173 : i32, i32
        }
        %scan3A_106 = arith.constant 31 : i32
        %bitcast_convert_type3A = arith.bitcast %scan3A_105#1 : i32 to f32
        %broadcast_in_dim3A_107 = arith.constant 0.000000e+00 : f32
        %broadcast_in_dim3A_108 = vector.broadcast %broadcast_in_dim3A_107 : f32 to vector<16xf32>
        %while3A = arith.constant 0 : i32
        %while3A_109 = arith.subi %shift_right_logical3A_98, %while3A : i32
        %while3A_110 = arith.addi %while3A, %while3A_109 : i32
        %while3A_111 = arith.constant 1 : i32
        %while3A_112 = arith.divsi %while3A_109, %while3A_111 : i32
        %while3A_113 = arith.muli %while3A_112, %while3A_111 : i32
        %while3A_114 = arith.addi %while3A, %while3A_113 : i32
        %while3A_115 = arith.constant 1 : i32
        %while3A_116:4 = scf.for %while3A_141 = %while3A to %while3A_114 step %while3A_115 iter_args(%while3A_142 = %broadcast_in_dim3A_108, %while3A_143 = %broadcast_in_dim3A_108, %while3A_144 = %broadcast_in_dim3A_108, %while3A_145 = %broadcast_in_dim3A_108) -> (vector<16xf32>, vector<16xf32>, vector<16xf32>, vector<16xf32>)  : i32 {
          %mul3A_146 = arith.constant 64 : i32
          %mul3A_147 = arith.muli %while3A_141, %mul3A_146 : i32
          %get3A_148 = arith.index_cast %mul3A_147 : i32 to index
          %get3A_149 = tpu.vector_load %arg9[%get3A_148] {strides = array<i32>} : memref<8256xf32, #tpu.memory_space<vmem>>, vector<16xf32>,
          %mul3A_150 = arith.constant 64 : i32
          %mul3A_151 = arith.muli %while3A_141, %mul3A_150 : i32
          %add3A_152 = arith.constant 16 : i32
          %add3A_153 = arith.addi %mul3A_151, %add3A_152 : i32
          %get3A_154 = arith.index_cast %add3A_153 : i32 to index
          %get3A_155 = tpu.vector_load %arg9[%get3A_154] {strides = array<i32>} : memref<8256xf32, #tpu.memory_space<vmem>>, vector<16xf32>,
          %mul3A_156 = arith.constant 64 : i32
          %mul3A_157 = arith.muli %while3A_141, %mul3A_156 : i32
          %add3A_158 = arith.constant 32 : i32
          %add3A_159 = arith.addi %mul3A_157, %add3A_158 : i32
          %get3A_160 = arith.index_cast %add3A_159 : i32 to index
          %get3A_161 = tpu.vector_load %arg9[%get3A_160] {strides = array<i32>} : memref<8256xf32, #tpu.memory_space<vmem>>, vector<16xf32>,
          %mul3A_162 = arith.constant 64 : i32
          %mul3A_163 = arith.muli %while3A_141, %mul3A_162 : i32
          %add3A_164 = arith.constant 48 : i32
          %add3A_165 = arith.addi %mul3A_163, %add3A_164 : i32
          %get3A_166 = arith.index_cast %add3A_165 : i32 to index
          %get3A_167 = tpu.vector_load %arg9[%get3A_166] {strides = array<i32>} : memref<8256xf32, #tpu.memory_space<vmem>>, vector<16xf32>,
          %gt3A_168 = vector.broadcast %bitcast_convert_type3A : f32 to vector<16xf32>
          %gt3A_169 = arith.cmpf ogt, %get3A_149, %gt3A_168 : vector<16xf32>
          %jit3A_170 = arith.constant 0.000000e+00 : f32
          %broadcast_in_dim3A_171 = vector.broadcast %jit3A_170 : f32 to vector<16xf32>
          %select_n3A_172 = arith.select %gt3A_169, %get3A_149, %broadcast_in_dim3A_171 : vector<16xi1>, vector<16xf32>
          %add3A_173 = arith.addf %while3A_142, %select_n3A_172 : vector<16xf32>
          %gt3A_174 = vector.broadcast %bitcast_convert_type3A : f32 to vector<16xf32>
          %gt3A_175 = arith.cmpf ogt, %get3A_155, %gt3A_174 : vector<16xf32>
          %jit3A_176 = arith.constant 0.000000e+00 : f32
          %broadcast_in_dim3A_177 = vector.broadcast %jit3A_176 : f32 to vector<16xf32>
          %select_n3A_178 = arith.select %gt3A_175, %get3A_155, %broadcast_in_dim3A_177 : vector<16xi1>, vector<16xf32>
          %add3A_179 = arith.addf %while3A_143, %select_n3A_178 : vector<16xf32>
          %gt3A_180 = vector.broadcast %bitcast_convert_type3A : f32 to vector<16xf32>
          %gt3A_181 = arith.cmpf ogt, %get3A_161, %gt3A_180 : vector<16xf32>
          %jit3A_182 = arith.constant 0.000000e+00 : f32
          %broadcast_in_dim3A_183 = vector.broadcast %jit3A_182 : f32 to vector<16xf32>
          %select_n3A_184 = arith.select %gt3A_181, %get3A_161, %broadcast_in_dim3A_183 : vector<16xi1>, vector<16xf32>
          %add3A_185 = arith.addf %while3A_144, %select_n3A_184 : vector<16xf32>
          %gt3A_186 = vector.broadcast %bitcast_convert_type3A : f32 to vector<16xf32>
          %gt3A_187 = arith.cmpf ogt, %get3A_167, %gt3A_186 : vector<16xf32>
          %jit3A_188 = arith.constant 0.000000e+00 : f32
          %broadcast_in_dim3A_189 = vector.broadcast %jit3A_188 : f32 to vector<16xf32>
          %select_n3A_190 = arith.select %gt3A_187, %get3A_167, %broadcast_in_dim3A_189 : vector<16xi1>, vector<16xf32>
          %add3A_191 = arith.addf %while3A_145, %select_n3A_190 : vector<16xf32>
          scf.yield %add3A_173, %add3A_179, %add3A_185, %add3A_191 : vector<16xf32>, vector<16xf32>, vector<16xf32>, vector<16xf32>
        }
        %while3A_117 = arith.constant 1 : i32
        %while3A_118:4 = scf.for %while3A_141 = %while3A_114 to %while3A_110 step %while3A_117 iter_args(%while3A_142 = %while3A_116#0, %while3A_143 = %while3A_116#1, %while3A_144 = %while3A_116#2, %while3A_145 = %while3A_116#3) -> (vector<16xf32>, vector<16xf32>, vector<16xf32>, vector<16xf32>)  : i32 {
          %mul3A_146 = arith.constant 64 : i32
          %mul3A_147 = arith.muli %while3A_141, %mul3A_146 : i32
          %get3A_148 = arith.index_cast %mul3A_147 : i32 to index
          %get3A_149 = tpu.vector_load %arg9[%get3A_148] {strides = array<i32>} : memref<8256xf32, #tpu.memory_space<vmem>>, vector<16xf32>,
          %mul3A_150 = arith.constant 64 : i32
          %mul3A_151 = arith.muli %while3A_141, %mul3A_150 : i32
          %add3A_152 = arith.constant 16 : i32
          %add3A_153 = arith.addi %mul3A_151, %add3A_152 : i32
          %get3A_154 = arith.index_cast %add3A_153 : i32 to index
          %get3A_155 = tpu.vector_load %arg9[%get3A_154] {strides = array<i32>} : memref<8256xf32, #tpu.memory_space<vmem>>, vector<16xf32>,
          %mul3A_156 = arith.constant 64 : i32
          %mul3A_157 = arith.muli %while3A_141, %mul3A_156 : i32
          %add3A_158 = arith.constant 32 : i32
          %add3A_159 = arith.addi %mul3A_157, %add3A_158 : i32
          %get3A_160 = arith.index_cast %add3A_159 : i32 to index
          %get3A_161 = tpu.vector_load %arg9[%get3A_160] {strides = array<i32>} : memref<8256xf32, #tpu.memory_space<vmem>>, vector<16xf32>,
          %mul3A_162 = arith.constant 64 : i32
          %mul3A_163 = arith.muli %while3A_141, %mul3A_162 : i32
          %add3A_164 = arith.constant 48 : i32
          %add3A_165 = arith.addi %mul3A_163, %add3A_164 : i32
          %get3A_166 = arith.index_cast %add3A_165 : i32 to index
          %get3A_167 = tpu.vector_load %arg9[%get3A_166] {strides = array<i32>} : memref<8256xf32, #tpu.memory_space<vmem>>, vector<16xf32>,
          %gt3A_168 = vector.broadcast %bitcast_convert_type3A : f32 to vector<16xf32>
          %gt3A_169 = arith.cmpf ogt, %get3A_149, %gt3A_168 : vector<16xf32>
          %jit3A_170 = arith.constant 0.000000e+00 : f32
          %broadcast_in_dim3A_171 = vector.broadcast %jit3A_170 : f32 to vector<16xf32>
          %select_n3A_172 = arith.select %gt3A_169, %get3A_149, %broadcast_in_dim3A_171 : vector<16xi1>, vector<16xf32>
          %add3A_173 = arith.addf %while3A_142, %select_n3A_172 : vector<16xf32>
          %gt3A_174 = vector.broadcast %bitcast_convert_type3A : f32 to vector<16xf32>
          %gt3A_175 = arith.cmpf ogt, %get3A_155, %gt3A_174 : vector<16xf32>
          %jit3A_176 = arith.constant 0.000000e+00 : f32
          %broadcast_in_dim3A_177 = vector.broadcast %jit3A_176 : f32 to vector<16xf32>
          %select_n3A_178 = arith.select %gt3A_175, %get3A_155, %broadcast_in_dim3A_177 : vector<16xi1>, vector<16xf32>
          %add3A_179 = arith.addf %while3A_143, %select_n3A_178 : vector<16xf32>
          %gt3A_180 = vector.broadcast %bitcast_convert_type3A : f32 to vector<16xf32>
          %gt3A_181 = arith.cmpf ogt, %get3A_161, %gt3A_180 : vector<16xf32>
          %jit3A_182 = arith.constant 0.000000e+00 : f32
          %broadcast_in_dim3A_183 = vector.broadcast %jit3A_182 : f32 to vector<16xf32>
          %select_n3A_184 = arith.select %gt3A_181, %get3A_161, %broadcast_in_dim3A_183 : vector<16xi1>, vector<16xf32>
          %add3A_185 = arith.addf %while3A_144, %select_n3A_184 : vector<16xf32>
          %gt3A_186 = vector.broadcast %bitcast_convert_type3A : f32 to vector<16xf32>
          %gt3A_187 = arith.cmpf ogt, %get3A_167, %gt3A_186 : vector<16xf32>
          %jit3A_188 = arith.constant 0.000000e+00 : f32
          %broadcast_in_dim3A_189 = vector.broadcast %jit3A_188 : f32 to vector<16xf32>
          %select_n3A_190 = arith.select %gt3A_187, %get3A_167, %broadcast_in_dim3A_189 : vector<16xi1>, vector<16xf32>
          %add3A_191 = arith.addf %while3A_145, %select_n3A_190 : vector<16xf32>
          scf.yield %add3A_173, %add3A_179, %add3A_185, %add3A_191 : vector<16xf32>, vector<16xf32>, vector<16xf32>, vector<16xf32>
        }
        %add3A_119 = arith.addf %while3A_118#0, %while3A_118#1 : vector<16xf32>
        %add3A_120 = arith.addf %while3A_118#2, %while3A_118#3 : vector<16xf32>
        %add3A_121 = arith.addf %add3A_119, %add3A_120 : vector<16xf32>
        %reduce_sum3A = arith.constant true
        %reduce_sum3A_122 = vector.broadcast %reduce_sum3A : i1 to vector<16xi1>
        %reduce_sum3A_123 = tpu.scan <sum>, %add3A_121 masked %reduce_sum3A_122 : vector<16xf32>, vector<16xi1> -> vector<16xf32>
        %reduce_sum3A_124 = vector.extract %reduce_sum3A_123[15] : f32 from vector<16xf32>
        %scan3A_125 = arith.constant 0 : i32
        %scan3A_126 = arith.constant 8191 : i32
        %scan3A_127 = arith.constant 0 : i32
        %scan3A_128 = arith.constant 14 : i32
        %scan3A_129 = arith.addi %scan3A_127, %scan3A_128 : i32
        %scan3A_130 = arith.constant 1 : i32
        %scan3A_131:2 = scf.for %scan3A_141 = %scan3A_127 to %scan3A_129 step %scan3A_130 iter_args(%scan3A_142 = %scan3A_125, %scan3A_143 = %scan3A_126) -> (i32, i32)  : i32 {
          %add3A_144 = arith.addi %scan3A_142, %scan3A_143 : i32
          %add3A_145 = arith.constant 1 : i32
          %add3A_146 = arith.addi %add3A_144, %add3A_145 : i32
          %shift_right_logical3A_147 = arith.constant 1 : i32
          %shift_right_logical3A_148 = arith.shrui %add3A_146, %shift_right_logical3A_147 : i32
          %broadcast_in_dim3A_149 = arith.constant 0.000000e+00 : f32
          %broadcast_in_dim3A_150 = vector.broadcast %broadcast_in_dim3A_149 : f32 to vector<16xf32>
          %while3A_151 = arith.constant 0 : i32
          %while3A_152 = arith.subi %shift_right_logical3A_98, %while3A_151 : i32
          %while3A_153 = arith.addi %while3A_151, %while3A_152 : i32
          %while3A_154 = arith.constant 1 : i32
          %while3A_155 = arith.divsi %while3A_152, %while3A_154 : i32
          %while3A_156 = arith.muli %while3A_155, %while3A_154 : i32
          %while3A_157 = arith.addi %while3A_151, %while3A_156 : i32
          %while3A_158 = arith.constant 1 : i32
          %while3A_159:4 = scf.for %while3A_175 = %while3A_151 to %while3A_157 step %while3A_158 iter_args(%while3A_176 = %broadcast_in_dim3A_150, %while3A_177 = %broadcast_in_dim3A_150, %while3A_178 = %broadcast_in_dim3A_150, %while3A_179 = %broadcast_in_dim3A_150) -> (vector<16xf32>, vector<16xf32>, vector<16xf32>, vector<16xf32>)  : i32 {
            %mul3A_180 = arith.constant 64 : i32
            %mul3A_181 = arith.muli %while3A_175, %mul3A_180 : i32
            %get3A_182 = arith.index_cast %mul3A_181 : i32 to index
            %get3A_183 = tpu.vector_load %arg9[%get3A_182] {strides = array<i32>} : memref<8256xf32, #tpu.memory_space<vmem>>, vector<16xf32>,
            %mul3A_184 = arith.constant 64 : i32
            %mul3A_185 = arith.muli %while3A_175, %mul3A_184 : i32
            %add3A_186 = arith.constant 16 : i32
            %add3A_187 = arith.addi %mul3A_185, %add3A_186 : i32
            %get3A_188 = arith.index_cast %add3A_187 : i32 to index
            %get3A_189 = tpu.vector_load %arg9[%get3A_188] {strides = array<i32>} : memref<8256xf32, #tpu.memory_space<vmem>>, vector<16xf32>,
            %mul3A_190 = arith.constant 64 : i32
            %mul3A_191 = arith.muli %while3A_175, %mul3A_190 : i32
            %add3A_192 = arith.constant 32 : i32
            %add3A_193 = arith.addi %mul3A_191, %add3A_192 : i32
            %get3A_194 = arith.index_cast %add3A_193 : i32 to index
            %get3A_195 = tpu.vector_load %arg9[%get3A_194] {strides = array<i32>} : memref<8256xf32, #tpu.memory_space<vmem>>, vector<16xf32>,
            %mul3A_196 = arith.constant 64 : i32
            %mul3A_197 = arith.muli %while3A_175, %mul3A_196 : i32
            %add3A_198 = arith.constant 48 : i32
            %add3A_199 = arith.addi %mul3A_197, %add3A_198 : i32
            %get3A_200 = arith.index_cast %add3A_199 : i32 to index
            %get3A_201 = tpu.vector_load %arg9[%get3A_200] {strides = array<i32>} : memref<8256xf32, #tpu.memory_space<vmem>>, vector<16xf32>,
            %mul3A_202 = arith.constant 64 : i32
            %mul3A_203 = arith.muli %while3A_175, %mul3A_202 : i32
            %get3A_204 = arith.index_cast %mul3A_203 : i32 to index
            %get3A_205 = tpu.vector_load %arg10[%get3A_204] {strides = array<i32>} : memref<8256xi32, #tpu.memory_space<vmem>>, vector<16xi32>,
            %mul3A_206 = arith.constant 64 : i32
            %mul3A_207 = arith.muli %while3A_175, %mul3A_206 : i32
            %add3A_208 = arith.constant 16 : i32
            %add3A_209 = arith.addi %mul3A_207, %add3A_208 : i32
            %get3A_210 = arith.index_cast %add3A_209 : i32 to index
            %get3A_211 = tpu.vector_load %arg10[%get3A_210] {strides = array<i32>} : memref<8256xi32, #tpu.memory_space<vmem>>, vector<16xi32>,
            %mul3A_212 = arith.constant 64 : i32
            %mul3A_213 = arith.muli %while3A_175, %mul3A_212 : i32
            %add3A_214 = arith.constant 32 : i32
            %add3A_215 = arith.addi %mul3A_213, %add3A_214 : i32
            %get3A_216 = arith.index_cast %add3A_215 : i32 to index
            %get3A_217 = tpu.vector_load %arg10[%get3A_216] {strides = array<i32>} : memref<8256xi32, #tpu.memory_space<vmem>>, vector<16xi32>,
            %mul3A_218 = arith.constant 64 : i32
            %mul3A_219 = arith.muli %while3A_175, %mul3A_218 : i32
            %add3A_220 = arith.constant 48 : i32
            %add3A_221 = arith.addi %mul3A_219, %add3A_220 : i32
            %get3A_222 = arith.index_cast %add3A_221 : i32 to index
            %get3A_223 = tpu.vector_load %arg10[%get3A_222] {strides = array<i32>} : memref<8256xi32, #tpu.memory_space<vmem>>, vector<16xi32>,
            %eq3A_224 = vector.broadcast %bitcast_convert_type3A : f32 to vector<16xf32>
            %eq3A_225 = arith.cmpf oeq, %get3A_183, %eq3A_224 : vector<16xf32>
            %le3A_226 = vector.broadcast %shift_right_logical3A_148 : i32 to vector<16xi32>
            %le3A_227 = arith.cmpi sle, %get3A_205, %le3A_226 : vector<16xi32>
            %and3A = arith.andi %eq3A_225, %le3A_227 : vector<16xi1>
            %jit3A_228 = arith.constant 1.000000e+00 : f32
            %jit3A_229 = arith.constant 0.000000e+00 : f32
            %broadcast_in_dim3A_230 = vector.broadcast %jit3A_228 : f32 to vector<16xf32>
            %broadcast_in_dim3A_231 = vector.broadcast %jit3A_229 : f32 to vector<16xf32>
            %select_n3A_232 = arith.select %and3A, %broadcast_in_dim3A_230, %broadcast_in_dim3A_231 : vector<16xi1>, vector<16xf32>
            %add3A_233 = arith.addf %while3A_176, %select_n3A_232 : vector<16xf32>
            %eq3A_234 = vector.broadcast %bitcast_convert_type3A : f32 to vector<16xf32>
            %eq3A_235 = arith.cmpf oeq, %get3A_189, %eq3A_234 : vector<16xf32>
            %le3A_236 = vector.broadcast %shift_right_logical3A_148 : i32 to vector<16xi32>
            %le3A_237 = arith.cmpi sle, %get3A_211, %le3A_236 : vector<16xi32>
            %and3A_238 = arith.andi %eq3A_235, %le3A_237 : vector<16xi1>
            %jit3A_239 = arith.constant 1.000000e+00 : f32
            %jit3A_240 = arith.constant 0.000000e+00 : f32
            %broadcast_in_dim3A_241 = vector.broadcast %jit3A_239 : f32 to vector<16xf32>
            %broadcast_in_dim3A_242 = vector.broadcast %jit3A_240 : f32 to vector<16xf32>
            %select_n3A_243 = arith.select %and3A_238, %broadcast_in_dim3A_241, %broadcast_in_dim3A_242 : vector<16xi1>, vector<16xf32>
            %add3A_244 = arith.addf %while3A_177, %select_n3A_243 : vector<16xf32>
            %eq3A_245 = vector.broadcast %bitcast_convert_type3A : f32 to vector<16xf32>
            %eq3A_246 = arith.cmpf oeq, %get3A_195, %eq3A_245 : vector<16xf32>
            %le3A_247 = vector.broadcast %shift_right_logical3A_148 : i32 to vector<16xi32>
            %le3A_248 = arith.cmpi sle, %get3A_217, %le3A_247 : vector<16xi32>
            %and3A_249 = arith.andi %eq3A_246, %le3A_248 : vector<16xi1>
            %jit3A_250 = arith.constant 1.000000e+00 : f32
            %jit3A_251 = arith.constant 0.000000e+00 : f32
            %broadcast_in_dim3A_252 = vector.broadcast %jit3A_250 : f32 to vector<16xf32>
            %broadcast_in_dim3A_253 = vector.broadcast %jit3A_251 : f32 to vector<16xf32>
            %select_n3A_254 = arith.select %and3A_249, %broadcast_in_dim3A_252, %broadcast_in_dim3A_253 : vector<16xi1>, vector<16xf32>
            %add3A_255 = arith.addf %while3A_178, %select_n3A_254 : vector<16xf32>
            %eq3A_256 = vector.broadcast %bitcast_convert_type3A : f32 to vector<16xf32>
            %eq3A_257 = arith.cmpf oeq, %get3A_201, %eq3A_256 : vector<16xf32>
            %le3A_258 = vector.broadcast %shift_right_logical3A_148 : i32 to vector<16xi32>
            %le3A_259 = arith.cmpi sle, %get3A_223, %le3A_258 : vector<16xi32>
            %and3A_260 = arith.andi %eq3A_257, %le3A_259 : vector<16xi1>
            %jit3A_261 = arith.constant 1.000000e+00 : f32
            %jit3A_262 = arith.constant 0.000000e+00 : f32
            %broadcast_in_dim3A_263 = vector.broadcast %jit3A_261 : f32 to vector<16xf32>
            %broadcast_in_dim3A_264 = vector.broadcast %jit3A_262 : f32 to vector<16xf32>
            %select_n3A_265 = arith.select %and3A_260, %broadcast_in_dim3A_263, %broadcast_in_dim3A_264 : vector<16xi1>, vector<16xf32>
            %add3A_266 = arith.addf %while3A_179, %select_n3A_265 : vector<16xf32>
            scf.yield %add3A_233, %add3A_244, %add3A_255, %add3A_266 : vector<16xf32>, vector<16xf32>, vector<16xf32>, vector<16xf32>
          }
          %while3A_160 = arith.constant 1 : i32
          %while3A_161:4 = scf.for %while3A_175 = %while3A_157 to %while3A_153 step %while3A_160 iter_args(%while3A_176 = %while3A_159#0, %while3A_177 = %while3A_159#1, %while3A_178 = %while3A_159#2, %while3A_179 = %while3A_159#3) -> (vector<16xf32>, vector<16xf32>, vector<16xf32>, vector<16xf32>)  : i32 {
            %mul3A_180 = arith.constant 64 : i32
            %mul3A_181 = arith.muli %while3A_175, %mul3A_180 : i32
            %get3A_182 = arith.index_cast %mul3A_181 : i32 to index
            %get3A_183 = tpu.vector_load %arg9[%get3A_182] {strides = array<i32>} : memref<8256xf32, #tpu.memory_space<vmem>>, vector<16xf32>,
            %mul3A_184 = arith.constant 64 : i32
            %mul3A_185 = arith.muli %while3A_175, %mul3A_184 : i32
            %add3A_186 = arith.constant 16 : i32
            %add3A_187 = arith.addi %mul3A_185, %add3A_186 : i32
            %get3A_188 = arith.index_cast %add3A_187 : i32 to index
            %get3A_189 = tpu.vector_load %arg9[%get3A_188] {strides = array<i32>} : memref<8256xf32, #tpu.memory_space<vmem>>, vector<16xf32>,
            %mul3A_190 = arith.constant 64 : i32
            %mul3A_191 = arith.muli %while3A_175, %mul3A_190 : i32
            %add3A_192 = arith.constant 32 : i32
            %add3A_193 = arith.addi %mul3A_191, %add3A_192 : i32
            %get3A_194 = arith.index_cast %add3A_193 : i32 to index
            %get3A_195 = tpu.vector_load %arg9[%get3A_194] {strides = array<i32>} : memref<8256xf32, #tpu.memory_space<vmem>>, vector<16xf32>,
            %mul3A_196 = arith.constant 64 : i32
            %mul3A_197 = arith.muli %while3A_175, %mul3A_196 : i32
            %add3A_198 = arith.constant 48 : i32
            %add3A_199 = arith.addi %mul3A_197, %add3A_198 : i32
            %get3A_200 = arith.index_cast %add3A_199 : i32 to index
            %get3A_201 = tpu.vector_load %arg9[%get3A_200] {strides = array<i32>} : memref<8256xf32, #tpu.memory_space<vmem>>, vector<16xf32>,
            %mul3A_202 = arith.constant 64 : i32
            %mul3A_203 = arith.muli %while3A_175, %mul3A_202 : i32
            %get3A_204 = arith.index_cast %mul3A_203 : i32 to index
            %get3A_205 = tpu.vector_load %arg10[%get3A_204] {strides = array<i32>} : memref<8256xi32, #tpu.memory_space<vmem>>, vector<16xi32>,
            %mul3A_206 = arith.constant 64 : i32
            %mul3A_207 = arith.muli %while3A_175, %mul3A_206 : i32
            %add3A_208 = arith.constant 16 : i32
            %add3A_209 = arith.addi %mul3A_207, %add3A_208 : i32
            %get3A_210 = arith.index_cast %add3A_209 : i32 to index
            %get3A_211 = tpu.vector_load %arg10[%get3A_210] {strides = array<i32>} : memref<8256xi32, #tpu.memory_space<vmem>>, vector<16xi32>,
            %mul3A_212 = arith.constant 64 : i32
            %mul3A_213 = arith.muli %while3A_175, %mul3A_212 : i32
            %add3A_214 = arith.constant 32 : i32
            %add3A_215 = arith.addi %mul3A_213, %add3A_214 : i32
            %get3A_216 = arith.index_cast %add3A_215 : i32 to index
            %get3A_217 = tpu.vector_load %arg10[%get3A_216] {strides = array<i32>} : memref<8256xi32, #tpu.memory_space<vmem>>, vector<16xi32>,
            %mul3A_218 = arith.constant 64 : i32
            %mul3A_219 = arith.muli %while3A_175, %mul3A_218 : i32
            %add3A_220 = arith.constant 48 : i32
            %add3A_221 = arith.addi %mul3A_219, %add3A_220 : i32
            %get3A_222 = arith.index_cast %add3A_221 : i32 to index
            %get3A_223 = tpu.vector_load %arg10[%get3A_222] {strides = array<i32>} : memref<8256xi32, #tpu.memory_space<vmem>>, vector<16xi32>,
            %eq3A_224 = vector.broadcast %bitcast_convert_type3A : f32 to vector<16xf32>
            %eq3A_225 = arith.cmpf oeq, %get3A_183, %eq3A_224 : vector<16xf32>
            %le3A_226 = vector.broadcast %shift_right_logical3A_148 : i32 to vector<16xi32>
            %le3A_227 = arith.cmpi sle, %get3A_205, %le3A_226 : vector<16xi32>
            %and3A = arith.andi %eq3A_225, %le3A_227 : vector<16xi1>
            %jit3A_228 = arith.constant 1.000000e+00 : f32
            %jit3A_229 = arith.constant 0.000000e+00 : f32
            %broadcast_in_dim3A_230 = vector.broadcast %jit3A_228 : f32 to vector<16xf32>
            %broadcast_in_dim3A_231 = vector.broadcast %jit3A_229 : f32 to vector<16xf32>
            %select_n3A_232 = arith.select %and3A, %broadcast_in_dim3A_230, %broadcast_in_dim3A_231 : vector<16xi1>, vector<16xf32>
            %add3A_233 = arith.addf %while3A_176, %select_n3A_232 : vector<16xf32>
            %eq3A_234 = vector.broadcast %bitcast_convert_type3A : f32 to vector<16xf32>
            %eq3A_235 = arith.cmpf oeq, %get3A_189, %eq3A_234 : vector<16xf32>
            %le3A_236 = vector.broadcast %shift_right_logical3A_148 : i32 to vector<16xi32>
            %le3A_237 = arith.cmpi sle, %get3A_211, %le3A_236 : vector<16xi32>
            %and3A_238 = arith.andi %eq3A_235, %le3A_237 : vector<16xi1>
            %jit3A_239 = arith.constant 1.000000e+00 : f32
            %jit3A_240 = arith.constant 0.000000e+00 : f32
            %broadcast_in_dim3A_241 = vector.broadcast %jit3A_239 : f32 to vector<16xf32>
            %broadcast_in_dim3A_242 = vector.broadcast %jit3A_240 : f32 to vector<16xf32>
            %select_n3A_243 = arith.select %and3A_238, %broadcast_in_dim3A_241, %broadcast_in_dim3A_242 : vector<16xi1>, vector<16xf32>
            %add3A_244 = arith.addf %while3A_177, %select_n3A_243 : vector<16xf32>
            %eq3A_245 = vector.broadcast %bitcast_convert_type3A : f32 to vector<16xf32>
            %eq3A_246 = arith.cmpf oeq, %get3A_195, %eq3A_245 : vector<16xf32>
            %le3A_247 = vector.broadcast %shift_right_logical3A_148 : i32 to vector<16xi32>
            %le3A_248 = arith.cmpi sle, %get3A_217, %le3A_247 : vector<16xi32>
            %and3A_249 = arith.andi %eq3A_246, %le3A_248 : vector<16xi1>
            %jit3A_250 = arith.constant 1.000000e+00 : f32
            %jit3A_251 = arith.constant 0.000000e+00 : f32
            %broadcast_in_dim3A_252 = vector.broadcast %jit3A_250 : f32 to vector<16xf32>
            %broadcast_in_dim3A_253 = vector.broadcast %jit3A_251 : f32 to vector<16xf32>
            %select_n3A_254 = arith.select %and3A_249, %broadcast_in_dim3A_252, %broadcast_in_dim3A_253 : vector<16xi1>, vector<16xf32>
            %add3A_255 = arith.addf %while3A_178, %select_n3A_254 : vector<16xf32>
            %eq3A_256 = vector.broadcast %bitcast_convert_type3A : f32 to vector<16xf32>
            %eq3A_257 = arith.cmpf oeq, %get3A_201, %eq3A_256 : vector<16xf32>
            %le3A_258 = vector.broadcast %shift_right_logical3A_148 : i32 to vector<16xi32>
            %le3A_259 = arith.cmpi sle, %get3A_223, %le3A_258 : vector<16xi32>
            %and3A_260 = arith.andi %eq3A_257, %le3A_259 : vector<16xi1>
            %jit3A_261 = arith.constant 1.000000e+00 : f32
            %jit3A_262 = arith.constant 0.000000e+00 : f32
            %broadcast_in_dim3A_263 = vector.broadcast %jit3A_261 : f32 to vector<16xf32>
            %broadcast_in_dim3A_264 = vector.broadcast %jit3A_262 : f32 to vector<16xf32>
            %select_n3A_265 = arith.select %and3A_260, %broadcast_in_dim3A_263, %broadcast_in_dim3A_264 : vector<16xi1>, vector<16xf32>
            %add3A_266 = arith.addf %while3A_179, %select_n3A_265 : vector<16xf32>
            scf.yield %add3A_233, %add3A_244, %add3A_255, %add3A_266 : vector<16xf32>, vector<16xf32>, vector<16xf32>, vector<16xf32>
          }
          %add3A_162 = arith.addf %while3A_161#0, %while3A_161#1 : vector<16xf32>
          %add3A_163 = arith.addf %while3A_161#2, %while3A_161#3 : vector<16xf32>
          %add3A_164 = arith.addf %add3A_162, %add3A_163 : vector<16xf32>
          %reduce_sum3A_165 = arith.constant true
          %reduce_sum3A_166 = vector.broadcast %reduce_sum3A_165 : i1 to vector<16xi1>
          %reduce_sum3A_167 = tpu.scan <sum>, %add3A_164 masked %reduce_sum3A_166 : vector<16xf32>, vector<16xi1> -> vector<16xf32>
          %reduce_sum3A_168 = vector.extract %reduce_sum3A_167[15] : f32 from vector<16xf32>
          %mul3A_169 = arith.mulf %reduce_sum3A_168, %bitcast_convert_type3A : f32
          %add3A_170 = arith.addf %reduce_sum3A_124, %mul3A_169 : f32
          %le3A = arith.constant 5.120000e+02 : f32
          %le3A_171 = arith.cmpf ole, %add3A_170, %le3A : f32
          %select_n3A_172 = arith.select %le3A_171, %shift_right_logical3A_148, %scan3A_142 : i32
          %sub3A = arith.constant 1 : i32
          %sub3A_173 = arith.subi %shift_right_logical3A_148, %sub3A : i32
          %select_n3A_174 = arith.select %le3A_171, %scan3A_143, %sub3A_173 : i32
          scf.yield %select_n3A_172, %select_n3A_174 : i32, i32
        }
        %scan3A_132 = arith.constant 14 : i32
        %gt3A_133 = arith.constant 0.000000e+00 : f32
        %gt3A_134 = arith.cmpf ogt, %bitcast_convert_type3A, %gt3A_133 : f32
        %jit3A = arith.constant 8192 : i32
        %select_n3A = arith.select %gt3A_134, %scan3A_131#0, %jit3A : i32
        %broadcast_in_dim3A_135 = vector.broadcast %bitcast_convert_type3A : f32 to vector<16xf32>
        %swap3A_136 = arith.constant 0 : index
        %swap3A_137 = tpu.vector_load %arg15[%swap3A_136] {strides = array<i32>} : memref<16xf32, #tpu.memory_space<vmem>>, vector<16xf32>,
        tpu.vector_store %arg15[%swap3A_136], %broadcast_in_dim3A_135 {strides = array<i32>} : memref<16xf32, #tpu.memory_space<vmem>>, vector<16xf32>,
        %broadcast_in_dim3A_138 = vector.broadcast %select_n3A : i32 to vector<16xi32>
        %swap3A_139 = arith.constant 0 : index
        %swap3A_140 = tpu.vector_load %arg16[%swap3A_139] {strides = array<i32>} : memref<16xi32, #tpu.memory_space<vmem>>, vector<16xi32>,
        tpu.vector_store %arg16[%swap3A_139], %broadcast_in_dim3A_138 {strides = array<i32>} : memref<16xi32, #tpu.memory_space<vmem>>, vector<16xi32>,
      } else {
      }
      %mul3A_28 = arith.constant 16 : i32
      %mul3A_29 = arith.muli %arg1, %mul3A_28 : i32
      "tpu.region"() ({
        %run_scoped3A = tpu.sem_alloc : memref<!tpu.dma_semaphore, #tpu.memory_space<semaphore_mem>>
        %dma_start3A_39 = tpu.memref_slice %arg18[%mul3A_29] : memref<256xf32, #tpu.memory_space<vmem_shared>> -> memref<16xf32, #tpu.memory_space<vmem_shared>>
        %dma_start3A_40 = tpu.memref_slice %arg18[%mul3A_29] : memref<256xf32, #tpu.memory_space<vmem_shared>> -> memref<16xf32, #tpu.memory_space<vmem_shared>>
        tpu.enqueue_dma source(%arg15 : memref<16xf32, #tpu.memory_space<vmem>>) target(%dma_start3A_40 : memref<16xf32, #tpu.memory_space<vmem_shared>>) target_semaphore(%run_scoped3A : memref<!tpu.dma_semaphore, #tpu.memory_space<semaphore_mem>>)
        %dma_wait3A_41 = tpu.memref_slice %arg18[%mul3A_29] : memref<256xf32, #tpu.memory_space<vmem_shared>> -> memref<16xf32, #tpu.memory_space<vmem_shared>>
        %dma_wait3A_42 = tpu.memref_slice %arg18[%mul3A_29] : memref<256xf32, #tpu.memory_space<vmem_shared>> -> memref<16xf32, #tpu.memory_space<vmem_shared>>
        tpu.wait_dma2 semaphore(%run_scoped3A : memref<!tpu.dma_semaphore, #tpu.memory_space<semaphore_mem>>) src(%arg15 : memref<16xf32, #tpu.memory_space<vmem>>) dst(%dma_wait3A_42 : memref<16xf32, #tpu.memory_space<vmem_shared>>)
        tpu.yield
      }) : () -> ()
      %mul3A_30 = arith.constant 16 : i32
      %mul3A_31 = arith.muli %arg1, %mul3A_30 : i32
      "tpu.region"() ({
        %run_scoped3A = tpu.sem_alloc : memref<!tpu.dma_semaphore, #tpu.memory_space<semaphore_mem>>
        %dma_start3A_39 = tpu.memref_slice %arg19[%mul3A_31] : memref<256xi32, #tpu.memory_space<vmem_shared>> -> memref<16xi32, #tpu.memory_space<vmem_shared>>
        %dma_start3A_40 = tpu.memref_slice %arg19[%mul3A_31] : memref<256xi32, #tpu.memory_space<vmem_shared>> -> memref<16xi32, #tpu.memory_space<vmem_shared>>
        tpu.enqueue_dma source(%arg16 : memref<16xi32, #tpu.memory_space<vmem>>) target(%dma_start3A_40 : memref<16xi32, #tpu.memory_space<vmem_shared>>) target_semaphore(%run_scoped3A : memref<!tpu.dma_semaphore, #tpu.memory_space<semaphore_mem>>)
        %dma_wait3A_41 = tpu.memref_slice %arg19[%mul3A_31] : memref<256xi32, #tpu.memory_space<vmem_shared>> -> memref<16xi32, #tpu.memory_space<vmem_shared>>
        %dma_wait3A_42 = tpu.memref_slice %arg19[%mul3A_31] : memref<256xi32, #tpu.memory_space<vmem_shared>> -> memref<16xi32, #tpu.memory_space<vmem_shared>>
        tpu.wait_dma2 semaphore(%run_scoped3A : memref<!tpu.dma_semaphore, #tpu.memory_space<semaphore_mem>>) src(%arg16 : memref<16xi32, #tpu.memory_space<vmem>>) dst(%dma_wait3A_42 : memref<16xi32, #tpu.memory_space<vmem_shared>>)
        tpu.yield
      }) : () -> ()
      %barrier3A = arith.constant 0 : index
      tpu.barrier barrier_id(%barrier3A)
      "tpu.region"() ({
        %run_scoped3A = tpu.sem_alloc : memref<!tpu.dma_semaphore, #tpu.memory_space<semaphore_mem>>
        tpu.enqueue_dma source(%arg18 : memref<256xf32, #tpu.memory_space<vmem_shared>>) target(%arg13 : memref<256xf32, #tpu.memory_space<vmem>>) target_semaphore(%run_scoped3A : memref<!tpu.dma_semaphore, #tpu.memory_space<semaphore_mem>>)
        tpu.wait_dma2 semaphore(%run_scoped3A : memref<!tpu.dma_semaphore, #tpu.memory_space<semaphore_mem>>) src(%arg18 : memref<256xf32, #tpu.memory_space<vmem_shared>>) dst(%arg13 : memref<256xf32, #tpu.memory_space<vmem>>)
        tpu.yield
      }) : () -> ()
      "tpu.region"() ({
        %run_scoped3A = tpu.sem_alloc : memref<!tpu.dma_semaphore, #tpu.memory_space<semaphore_mem>>
        tpu.enqueue_dma source(%arg19 : memref<256xi32, #tpu.memory_space<vmem_shared>>) target(%arg14 : memref<256xi32, #tpu.memory_space<vmem>>) target_semaphore(%run_scoped3A : memref<!tpu.dma_semaphore, #tpu.memory_space<semaphore_mem>>)
        tpu.wait_dma2 semaphore(%run_scoped3A : memref<!tpu.dma_semaphore, #tpu.memory_space<semaphore_mem>>) src(%arg19 : memref<256xi32, #tpu.memory_space<vmem_shared>>) dst(%arg14 : memref<256xi32, #tpu.memory_space<vmem>>)
        tpu.yield
      }) : () -> ()
      %scan3A = arith.constant 0 : i32
      %scan3A_32 = arith.constant 0 : i32
      %scan3A_33 = arith.constant 16 : i32
      %scan3A_34 = arith.addi %scan3A_32, %scan3A_33 : i32
      %scan3A_35 = arith.constant 1 : i32
      scf.for %scan3A_39 = %scan3A_32 to %scan3A_34 step %scan3A_35  : i32 {
        %mul3A_40 = arith.constant 16 : i32
        %mul3A_41 = arith.muli %scan3A_39, %mul3A_40 : i32
        %add3A_42 = arith.addi %mul3A_2, %mul3A_41 : i32
        %get3A_43 = arith.index_cast %add3A_42 : i32 to index
        %get3A_44 = tpu.vector_load %arg7[%get3A_43] {strides = array<i32>} : memref<8192xf32, #tpu.memory_space<vmem>>, vector<16xf32>,
        %mul3A_45 = arith.constant 16 : i32
        %mul3A_46 = arith.muli %scan3A_39, %mul3A_45 : i32
        %add3A_47 = arith.addi %mul3A_2, %mul3A_46 : i32
        %get3A_48 = arith.index_cast %add3A_47 : i32 to index
        %get3A_49 = tpu.vector_load %arg8[%get3A_48] {strides = array<i32>} : memref<8192xi32, #tpu.memory_space<vmem>>, vector<16xi32>,
        %mul3A_50 = arith.constant 16 : i32
        %mul3A_51 = vector.broadcast %mul3A_50 : i32 to vector<16xi32>
        %mul3A_52 = arith.muli %get3A_49, %mul3A_51 : vector<16xi32>
        %gather3A_53 = tpu.vector_load_idx %arg13[%mul3A_52] : memref<256xf32, #tpu.memory_space<vmem>>[vector<16xi32>], vector<16xf32>,
        %mul3A_54 = arith.constant 16 : i32
        %mul3A_55 = vector.broadcast %mul3A_54 : i32 to vector<16xi32>
        %mul3A_56 = arith.muli %get3A_49, %mul3A_55 : vector<16xi32>
        %gather3A_57 = tpu.vector_load_idx %arg14[%mul3A_56] : memref<256xi32, #tpu.memory_space<vmem>>[vector<16xi32>], vector<16xi32>,
        %mul3A_58 = arith.constant 16 : i32
        %mul3A_59 = arith.muli %scan3A_39, %mul3A_58 : i32
        %add3A_60 = arith.addi %mul3A_2, %mul3A_59 : i32
        %add3A_61 = vector.broadcast %add3A_60 : i32 to vector<16xi32>
        %add3A_62 = arith.addi %add3A_61, %iota3A : vector<16xi32>
        %gt3A_63 = arith.cmpf ogt, %get3A_44, %gather3A_53 : vector<16xf32>
        %eq3A_64 = arith.cmpf oeq, %get3A_44, %gather3A_53 : vector<16xf32>
        %le3A = arith.cmpi sle, %add3A_62, %gather3A_57 : vector<16xi32>
        %and3A = arith.andi %eq3A_64, %le3A : vector<16xi1>
        %or3A = arith.ori %gt3A_63, %and3A : vector<16xi1>
        %jit3A = arith.constant 1.000000e+00 : f32
        %jit3A_65 = arith.constant 0.000000e+00 : f32
        %broadcast_in_dim3A_66 = vector.broadcast %jit3A : f32 to vector<16xf32>
        %broadcast_in_dim3A_67 = vector.broadcast %jit3A_65 : f32 to vector<16xf32>
        %select_n3A = arith.select %or3A, %broadcast_in_dim3A_66, %broadcast_in_dim3A_67 : vector<16xi1>, vector<16xf32>
        %mul3A_68 = arith.constant 16 : i32
        %mul3A_69 = arith.muli %scan3A_39, %mul3A_68 : i32
        %add3A_70 = arith.constant 0 : i32
        %add3A_71 = arith.addi %mul3A_69, %add3A_70 : i32
        %mul3A_72 = arith.constant 16 : i32
        %mul3A_73 = arith.muli %add3A_71, %mul3A_72 : i32
        %get3A_74 = arith.index_cast %mul3A_73 : i32 to index
        %get3A_75 = tpu.vector_load %arg11[%get3A_74] {strides = array<i32>} : memref<4096xf32, #tpu.memory_space<vmem>>, vector<16xf32>,
        %slice3A_76 = vector.extract_strided_slice %select_n3A {offsets = [0], sizes = [1], strides = [1]} : vector<16xf32> to vector<1xf32>
        %squeeze3A_77 = vector.extract %slice3A_76[0] : f32 from vector<1xf32>
        %mul3A_78 = vector.broadcast %squeeze3A_77 : f32 to vector<16xf32>
        %mul3A_79 = arith.mulf %get3A_75, %mul3A_78 : vector<16xf32>
        %swap3A = arith.index_cast %mul3A_73 : i32 to index
        %swap3A_80 = tpu.vector_load %arg12[%swap3A] {strides = array<i32>} : memref<4096xf32, #tpu.memory_space<vmem>>, vector<16xf32>,
        tpu.vector_store %arg12[%swap3A], %mul3A_79 {strides = array<i32>} : memref<4096xf32, #tpu.memory_space<vmem>>, vector<16xf32>,
        %mul3A_81 = arith.constant 16 : i32
        %mul3A_82 = arith.muli %scan3A_39, %mul3A_81 : i32
        %add3A_83 = arith.constant 1 : i32
        %add3A_84 = arith.addi %mul3A_82, %add3A_83 : i32
        %mul3A_85 = arith.constant 16 : i32
        %mul3A_86 = arith.muli %add3A_84, %mul3A_85 : i32
        %get3A_87 = arith.index_cast %mul3A_86 : i32 to index
        %get3A_88 = tpu.vector_load %arg11[%get3A_87] {strides = array<i32>} : memref<4096xf32, #tpu.memory_space<vmem>>, vector<16xf32>,
        %slice3A_89 = vector.extract_strided_slice %select_n3A {offsets = [1], sizes = [1], strides = [1]} : vector<16xf32> to vector<1xf32>
        %squeeze3A_90 = vector.extract %slice3A_89[0] : f32 from vector<1xf32>
        %mul3A_91 = vector.broadcast %squeeze3A_90 : f32 to vector<16xf32>
        %mul3A_92 = arith.mulf %get3A_88, %mul3A_91 : vector<16xf32>
        %swap3A_93 = arith.index_cast %mul3A_86 : i32 to index
        %swap3A_94 = tpu.vector_load %arg12[%swap3A_93] {strides = array<i32>} : memref<4096xf32, #tpu.memory_space<vmem>>, vector<16xf32>,
        tpu.vector_store %arg12[%swap3A_93], %mul3A_92 {strides = array<i32>} : memref<4096xf32, #tpu.memory_space<vmem>>, vector<16xf32>,
        %mul3A_95 = arith.constant 16 : i32
        %mul3A_96 = arith.muli %scan3A_39, %mul3A_95 : i32
        %add3A_97 = arith.constant 2 : i32
        %add3A_98 = arith.addi %mul3A_96, %add3A_97 : i32
        %mul3A_99 = arith.constant 16 : i32
        %mul3A_100 = arith.muli %add3A_98, %mul3A_99 : i32
        %get3A_101 = arith.index_cast %mul3A_100 : i32 to index
        %get3A_102 = tpu.vector_load %arg11[%get3A_101] {strides = array<i32>} : memref<4096xf32, #tpu.memory_space<vmem>>, vector<16xf32>,
        %slice3A_103 = vector.extract_strided_slice %select_n3A {offsets = [2], sizes = [1], strides = [1]} : vector<16xf32> to vector<1xf32>
        %squeeze3A_104 = vector.extract %slice3A_103[0] : f32 from vector<1xf32>
        %mul3A_105 = vector.broadcast %squeeze3A_104 : f32 to vector<16xf32>
        %mul3A_106 = arith.mulf %get3A_102, %mul3A_105 : vector<16xf32>
        %swap3A_107 = arith.index_cast %mul3A_100 : i32 to index
        %swap3A_108 = tpu.vector_load %arg12[%swap3A_107] {strides = array<i32>} : memref<4096xf32, #tpu.memory_space<vmem>>, vector<16xf32>,
        tpu.vector_store %arg12[%swap3A_107], %mul3A_106 {strides = array<i32>} : memref<4096xf32, #tpu.memory_space<vmem>>, vector<16xf32>,
        %mul3A_109 = arith.constant 16 : i32
        %mul3A_110 = arith.muli %scan3A_39, %mul3A_109 : i32
        %add3A_111 = arith.constant 3 : i32
        %add3A_112 = arith.addi %mul3A_110, %add3A_111 : i32
        %mul3A_113 = arith.constant 16 : i32
        %mul3A_114 = arith.muli %add3A_112, %mul3A_113 : i32
        %get3A_115 = arith.index_cast %mul3A_114 : i32 to index
        %get3A_116 = tpu.vector_load %arg11[%get3A_115] {strides = array<i32>} : memref<4096xf32, #tpu.memory_space<vmem>>, vector<16xf32>,
        %slice3A_117 = vector.extract_strided_slice %select_n3A {offsets = [3], sizes = [1], strides = [1]} : vector<16xf32> to vector<1xf32>
        %squeeze3A_118 = vector.extract %slice3A_117[0] : f32 from vector<1xf32>
        %mul3A_119 = vector.broadcast %squeeze3A_118 : f32 to vector<16xf32>
        %mul3A_120 = arith.mulf %get3A_116, %mul3A_119 : vector<16xf32>
        %swap3A_121 = arith.index_cast %mul3A_114 : i32 to index
        %swap3A_122 = tpu.vector_load %arg12[%swap3A_121] {strides = array<i32>} : memref<4096xf32, #tpu.memory_space<vmem>>, vector<16xf32>,
        tpu.vector_store %arg12[%swap3A_121], %mul3A_120 {strides = array<i32>} : memref<4096xf32, #tpu.memory_space<vmem>>, vector<16xf32>,
        %mul3A_123 = arith.constant 16 : i32
        %mul3A_124 = arith.muli %scan3A_39, %mul3A_123 : i32
        %add3A_125 = arith.constant 4 : i32
        %add3A_126 = arith.addi %mul3A_124, %add3A_125 : i32
        %mul3A_127 = arith.constant 16 : i32
        %mul3A_128 = arith.muli %add3A_126, %mul3A_127 : i32
        %get3A_129 = arith.index_cast %mul3A_128 : i32 to index
        %get3A_130 = tpu.vector_load %arg11[%get3A_129] {strides = array<i32>} : memref<4096xf32, #tpu.memory_space<vmem>>, vector<16xf32>,
        %slice3A_131 = vector.extract_strided_slice %select_n3A {offsets = [4], sizes = [1], strides = [1]} : vector<16xf32> to vector<1xf32>
        %squeeze3A_132 = vector.extract %slice3A_131[0] : f32 from vector<1xf32>
        %mul3A_133 = vector.broadcast %squeeze3A_132 : f32 to vector<16xf32>
        %mul3A_134 = arith.mulf %get3A_130, %mul3A_133 : vector<16xf32>
        %swap3A_135 = arith.index_cast %mul3A_128 : i32 to index
        %swap3A_136 = tpu.vector_load %arg12[%swap3A_135] {strides = array<i32>} : memref<4096xf32, #tpu.memory_space<vmem>>, vector<16xf32>,
        tpu.vector_store %arg12[%swap3A_135], %mul3A_134 {strides = array<i32>} : memref<4096xf32, #tpu.memory_space<vmem>>, vector<16xf32>,
        %mul3A_137 = arith.constant 16 : i32
        %mul3A_138 = arith.muli %scan3A_39, %mul3A_137 : i32
        %add3A_139 = arith.constant 5 : i32
        %add3A_140 = arith.addi %mul3A_138, %add3A_139 : i32
        %mul3A_141 = arith.constant 16 : i32
        %mul3A_142 = arith.muli %add3A_140, %mul3A_141 : i32
        %get3A_143 = arith.index_cast %mul3A_142 : i32 to index
        %get3A_144 = tpu.vector_load %arg11[%get3A_143] {strides = array<i32>} : memref<4096xf32, #tpu.memory_space<vmem>>, vector<16xf32>,
        %slice3A_145 = vector.extract_strided_slice %select_n3A {offsets = [5], sizes = [1], strides = [1]} : vector<16xf32> to vector<1xf32>
        %squeeze3A_146 = vector.extract %slice3A_145[0] : f32 from vector<1xf32>
        %mul3A_147 = vector.broadcast %squeeze3A_146 : f32 to vector<16xf32>
        %mul3A_148 = arith.mulf %get3A_144, %mul3A_147 : vector<16xf32>
        %swap3A_149 = arith.index_cast %mul3A_142 : i32 to index
        %swap3A_150 = tpu.vector_load %arg12[%swap3A_149] {strides = array<i32>} : memref<4096xf32, #tpu.memory_space<vmem>>, vector<16xf32>,
        tpu.vector_store %arg12[%swap3A_149], %mul3A_148 {strides = array<i32>} : memref<4096xf32, #tpu.memory_space<vmem>>, vector<16xf32>,
        %mul3A_151 = arith.constant 16 : i32
        %mul3A_152 = arith.muli %scan3A_39, %mul3A_151 : i32
        %add3A_153 = arith.constant 6 : i32
        %add3A_154 = arith.addi %mul3A_152, %add3A_153 : i32
        %mul3A_155 = arith.constant 16 : i32
        %mul3A_156 = arith.muli %add3A_154, %mul3A_155 : i32
        %get3A_157 = arith.index_cast %mul3A_156 : i32 to index
        %get3A_158 = tpu.vector_load %arg11[%get3A_157] {strides = array<i32>} : memref<4096xf32, #tpu.memory_space<vmem>>, vector<16xf32>,
        %slice3A_159 = vector.extract_strided_slice %select_n3A {offsets = [6], sizes = [1], strides = [1]} : vector<16xf32> to vector<1xf32>
        %squeeze3A_160 = vector.extract %slice3A_159[0] : f32 from vector<1xf32>
        %mul3A_161 = vector.broadcast %squeeze3A_160 : f32 to vector<16xf32>
        %mul3A_162 = arith.mulf %get3A_158, %mul3A_161 : vector<16xf32>
        %swap3A_163 = arith.index_cast %mul3A_156 : i32 to index
        %swap3A_164 = tpu.vector_load %arg12[%swap3A_163] {strides = array<i32>} : memref<4096xf32, #tpu.memory_space<vmem>>, vector<16xf32>,
        tpu.vector_store %arg12[%swap3A_163], %mul3A_162 {strides = array<i32>} : memref<4096xf32, #tpu.memory_space<vmem>>, vector<16xf32>,
        %mul3A_165 = arith.constant 16 : i32
        %mul3A_166 = arith.muli %scan3A_39, %mul3A_165 : i32
        %add3A_167 = arith.constant 7 : i32
        %add3A_168 = arith.addi %mul3A_166, %add3A_167 : i32
        %mul3A_169 = arith.constant 16 : i32
        %mul3A_170 = arith.muli %add3A_168, %mul3A_169 : i32
        %get3A_171 = arith.index_cast %mul3A_170 : i32 to index
        %get3A_172 = tpu.vector_load %arg11[%get3A_171] {strides = array<i32>} : memref<4096xf32, #tpu.memory_space<vmem>>, vector<16xf32>,
        %slice3A_173 = vector.extract_strided_slice %select_n3A {offsets = [7], sizes = [1], strides = [1]} : vector<16xf32> to vector<1xf32>
        %squeeze3A_174 = vector.extract %slice3A_173[0] : f32 from vector<1xf32>
        %mul3A_175 = vector.broadcast %squeeze3A_174 : f32 to vector<16xf32>
        %mul3A_176 = arith.mulf %get3A_172, %mul3A_175 : vector<16xf32>
        %swap3A_177 = arith.index_cast %mul3A_170 : i32 to index
        %swap3A_178 = tpu.vector_load %arg12[%swap3A_177] {strides = array<i32>} : memref<4096xf32, #tpu.memory_space<vmem>>, vector<16xf32>,
        tpu.vector_store %arg12[%swap3A_177], %mul3A_176 {strides = array<i32>} : memref<4096xf32, #tpu.memory_space<vmem>>, vector<16xf32>,
        %mul3A_179 = arith.constant 16 : i32
        %mul3A_180 = arith.muli %scan3A_39, %mul3A_179 : i32
        %add3A_181 = arith.constant 8 : i32
        %add3A_182 = arith.addi %mul3A_180, %add3A_181 : i32
        %mul3A_183 = arith.constant 16 : i32
        %mul3A_184 = arith.muli %add3A_182, %mul3A_183 : i32
        %get3A_185 = arith.index_cast %mul3A_184 : i32 to index
        %get3A_186 = tpu.vector_load %arg11[%get3A_185] {strides = array<i32>} : memref<4096xf32, #tpu.memory_space<vmem>>, vector<16xf32>,
        %slice3A_187 = vector.extract_strided_slice %select_n3A {offsets = [8], sizes = [1], strides = [1]} : vector<16xf32> to vector<1xf32>
        %squeeze3A_188 = vector.extract %slice3A_187[0] : f32 from vector<1xf32>
        %mul3A_189 = vector.broadcast %squeeze3A_188 : f32 to vector<16xf32>
        %mul3A_190 = arith.mulf %get3A_186, %mul3A_189 : vector<16xf32>
        %swap3A_191 = arith.index_cast %mul3A_184 : i32 to index
        %swap3A_192 = tpu.vector_load %arg12[%swap3A_191] {strides = array<i32>} : memref<4096xf32, #tpu.memory_space<vmem>>, vector<16xf32>,
        tpu.vector_store %arg12[%swap3A_191], %mul3A_190 {strides = array<i32>} : memref<4096xf32, #tpu.memory_space<vmem>>, vector<16xf32>,
        %mul3A_193 = arith.constant 16 : i32
        %mul3A_194 = arith.muli %scan3A_39, %mul3A_193 : i32
        %add3A_195 = arith.constant 9 : i32
        %add3A_196 = arith.addi %mul3A_194, %add3A_195 : i32
        %mul3A_197 = arith.constant 16 : i32
        %mul3A_198 = arith.muli %add3A_196, %mul3A_197 : i32
        %get3A_199 = arith.index_cast %mul3A_198 : i32 to index
        %get3A_200 = tpu.vector_load %arg11[%get3A_199] {strides = array<i32>} : memref<4096xf32, #tpu.memory_space<vmem>>, vector<16xf32>,
        %slice3A_201 = vector.extract_strided_slice %select_n3A {offsets = [9], sizes = [1], strides = [1]} : vector<16xf32> to vector<1xf32>
        %squeeze3A_202 = vector.extract %slice3A_201[0] : f32 from vector<1xf32>
        %mul3A_203 = vector.broadcast %squeeze3A_202 : f32 to vector<16xf32>
        %mul3A_204 = arith.mulf %get3A_200, %mul3A_203 : vector<16xf32>
        %swap3A_205 = arith.index_cast %mul3A_198 : i32 to index
        %swap3A_206 = tpu.vector_load %arg12[%swap3A_205] {strides = array<i32>} : memref<4096xf32, #tpu.memory_space<vmem>>, vector<16xf32>,
        tpu.vector_store %arg12[%swap3A_205], %mul3A_204 {strides = array<i32>} : memref<4096xf32, #tpu.memory_space<vmem>>, vector<16xf32>,
        %mul3A_207 = arith.constant 16 : i32
        %mul3A_208 = arith.muli %scan3A_39, %mul3A_207 : i32
        %add3A_209 = arith.constant 10 : i32
        %add3A_210 = arith.addi %mul3A_208, %add3A_209 : i32
        %mul3A_211 = arith.constant 16 : i32
        %mul3A_212 = arith.muli %add3A_210, %mul3A_211 : i32
        %get3A_213 = arith.index_cast %mul3A_212 : i32 to index
        %get3A_214 = tpu.vector_load %arg11[%get3A_213] {strides = array<i32>} : memref<4096xf32, #tpu.memory_space<vmem>>, vector<16xf32>,
        %slice3A_215 = vector.extract_strided_slice %select_n3A {offsets = [10], sizes = [1], strides = [1]} : vector<16xf32> to vector<1xf32>
        %squeeze3A_216 = vector.extract %slice3A_215[0] : f32 from vector<1xf32>
        %mul3A_217 = vector.broadcast %squeeze3A_216 : f32 to vector<16xf32>
        %mul3A_218 = arith.mulf %get3A_214, %mul3A_217 : vector<16xf32>
        %swap3A_219 = arith.index_cast %mul3A_212 : i32 to index
        %swap3A_220 = tpu.vector_load %arg12[%swap3A_219] {strides = array<i32>} : memref<4096xf32, #tpu.memory_space<vmem>>, vector<16xf32>,
        tpu.vector_store %arg12[%swap3A_219], %mul3A_218 {strides = array<i32>} : memref<4096xf32, #tpu.memory_space<vmem>>, vector<16xf32>,
        %mul3A_221 = arith.constant 16 : i32
        %mul3A_222 = arith.muli %scan3A_39, %mul3A_221 : i32
        %add3A_223 = arith.constant 11 : i32
        %add3A_224 = arith.addi %mul3A_222, %add3A_223 : i32
        %mul3A_225 = arith.constant 16 : i32
        %mul3A_226 = arith.muli %add3A_224, %mul3A_225 : i32
        %get3A_227 = arith.index_cast %mul3A_226 : i32 to index
        %get3A_228 = tpu.vector_load %arg11[%get3A_227] {strides = array<i32>} : memref<4096xf32, #tpu.memory_space<vmem>>, vector<16xf32>,
        %slice3A_229 = vector.extract_strided_slice %select_n3A {offsets = [11], sizes = [1], strides = [1]} : vector<16xf32> to vector<1xf32>
        %squeeze3A_230 = vector.extract %slice3A_229[0] : f32 from vector<1xf32>
        %mul3A_231 = vector.broadcast %squeeze3A_230 : f32 to vector<16xf32>
        %mul3A_232 = arith.mulf %get3A_228, %mul3A_231 : vector<16xf32>
        %swap3A_233 = arith.index_cast %mul3A_226 : i32 to index
        %swap3A_234 = tpu.vector_load %arg12[%swap3A_233] {strides = array<i32>} : memref<4096xf32, #tpu.memory_space<vmem>>, vector<16xf32>,
        tpu.vector_store %arg12[%swap3A_233], %mul3A_232 {strides = array<i32>} : memref<4096xf32, #tpu.memory_space<vmem>>, vector<16xf32>,
        %mul3A_235 = arith.constant 16 : i32
        %mul3A_236 = arith.muli %scan3A_39, %mul3A_235 : i32
        %add3A_237 = arith.constant 12 : i32
        %add3A_238 = arith.addi %mul3A_236, %add3A_237 : i32
        %mul3A_239 = arith.constant 16 : i32
        %mul3A_240 = arith.muli %add3A_238, %mul3A_239 : i32
        %get3A_241 = arith.index_cast %mul3A_240 : i32 to index
        %get3A_242 = tpu.vector_load %arg11[%get3A_241] {strides = array<i32>} : memref<4096xf32, #tpu.memory_space<vmem>>, vector<16xf32>,
        %slice3A_243 = vector.extract_strided_slice %select_n3A {offsets = [12], sizes = [1], strides = [1]} : vector<16xf32> to vector<1xf32>
        %squeeze3A_244 = vector.extract %slice3A_243[0] : f32 from vector<1xf32>
        %mul3A_245 = vector.broadcast %squeeze3A_244 : f32 to vector<16xf32>
        %mul3A_246 = arith.mulf %get3A_242, %mul3A_245 : vector<16xf32>
        %swap3A_247 = arith.index_cast %mul3A_240 : i32 to index
        %swap3A_248 = tpu.vector_load %arg12[%swap3A_247] {strides = array<i32>} : memref<4096xf32, #tpu.memory_space<vmem>>, vector<16xf32>,
        tpu.vector_store %arg12[%swap3A_247], %mul3A_246 {strides = array<i32>} : memref<4096xf32, #tpu.memory_space<vmem>>, vector<16xf32>,
        %mul3A_249 = arith.constant 16 : i32
        %mul3A_250 = arith.muli %scan3A_39, %mul3A_249 : i32
        %add3A_251 = arith.constant 13 : i32
        %add3A_252 = arith.addi %mul3A_250, %add3A_251 : i32
        %mul3A_253 = arith.constant 16 : i32
        %mul3A_254 = arith.muli %add3A_252, %mul3A_253 : i32
        %get3A_255 = arith.index_cast %mul3A_254 : i32 to index
        %get3A_256 = tpu.vector_load %arg11[%get3A_255] {strides = array<i32>} : memref<4096xf32, #tpu.memory_space<vmem>>, vector<16xf32>,
        %slice3A_257 = vector.extract_strided_slice %select_n3A {offsets = [13], sizes = [1], strides = [1]} : vector<16xf32> to vector<1xf32>
        %squeeze3A_258 = vector.extract %slice3A_257[0] : f32 from vector<1xf32>
        %mul3A_259 = vector.broadcast %squeeze3A_258 : f32 to vector<16xf32>
        %mul3A_260 = arith.mulf %get3A_256, %mul3A_259 : vector<16xf32>
        %swap3A_261 = arith.index_cast %mul3A_254 : i32 to index
        %swap3A_262 = tpu.vector_load %arg12[%swap3A_261] {strides = array<i32>} : memref<4096xf32, #tpu.memory_space<vmem>>, vector<16xf32>,
        tpu.vector_store %arg12[%swap3A_261], %mul3A_260 {strides = array<i32>} : memref<4096xf32, #tpu.memory_space<vmem>>, vector<16xf32>,
        %mul3A_263 = arith.constant 16 : i32
        %mul3A_264 = arith.muli %scan3A_39, %mul3A_263 : i32
        %add3A_265 = arith.constant 14 : i32
        %add3A_266 = arith.addi %mul3A_264, %add3A_265 : i32
        %mul3A_267 = arith.constant 16 : i32
        %mul3A_268 = arith.muli %add3A_266, %mul3A_267 : i32
        %get3A_269 = arith.index_cast %mul3A_268 : i32 to index
        %get3A_270 = tpu.vector_load %arg11[%get3A_269] {strides = array<i32>} : memref<4096xf32, #tpu.memory_space<vmem>>, vector<16xf32>,
        %slice3A_271 = vector.extract_strided_slice %select_n3A {offsets = [14], sizes = [1], strides = [1]} : vector<16xf32> to vector<1xf32>
        %squeeze3A_272 = vector.extract %slice3A_271[0] : f32 from vector<1xf32>
        %mul3A_273 = vector.broadcast %squeeze3A_272 : f32 to vector<16xf32>
        %mul3A_274 = arith.mulf %get3A_270, %mul3A_273 : vector<16xf32>
        %swap3A_275 = arith.index_cast %mul3A_268 : i32 to index
        %swap3A_276 = tpu.vector_load %arg12[%swap3A_275] {strides = array<i32>} : memref<4096xf32, #tpu.memory_space<vmem>>, vector<16xf32>,
        tpu.vector_store %arg12[%swap3A_275], %mul3A_274 {strides = array<i32>} : memref<4096xf32, #tpu.memory_space<vmem>>, vector<16xf32>,
        %mul3A_277 = arith.constant 16 : i32
        %mul3A_278 = arith.muli %scan3A_39, %mul3A_277 : i32
        %add3A_279 = arith.constant 15 : i32
        %add3A_280 = arith.addi %mul3A_278, %add3A_279 : i32
        %mul3A_281 = arith.constant 16 : i32
        %mul3A_282 = arith.muli %add3A_280, %mul3A_281 : i32
        %get3A_283 = arith.index_cast %mul3A_282 : i32 to index
        %get3A_284 = tpu.vector_load %arg11[%get3A_283] {strides = array<i32>} : memref<4096xf32, #tpu.memory_space<vmem>>, vector<16xf32>,
        %slice3A_285 = vector.extract_strided_slice %select_n3A {offsets = [15], sizes = [1], strides = [1]} : vector<16xf32> to vector<1xf32>
        %squeeze3A_286 = vector.extract %slice3A_285[0] : f32 from vector<1xf32>
        %mul3A_287 = vector.broadcast %squeeze3A_286 : f32 to vector<16xf32>
        %mul3A_288 = arith.mulf %get3A_284, %mul3A_287 : vector<16xf32>
        %swap3A_289 = arith.index_cast %mul3A_282 : i32 to index
        %swap3A_290 = tpu.vector_load %arg12[%swap3A_289] {strides = array<i32>} : memref<4096xf32, #tpu.memory_space<vmem>>, vector<16xf32>,
        tpu.vector_store %arg12[%swap3A_289], %mul3A_288 {strides = array<i32>} : memref<4096xf32, #tpu.memory_space<vmem>>, vector<16xf32>,
      }
      %scan3A_36 = arith.constant 16 : i32
      %mul3A_37 = arith.constant 16 : i32
      %mul3A_38 = arith.muli %mul3A_2, %mul3A_37 : i32
      "tpu.region"() ({
        %run_scoped3A = tpu.sem_alloc : memref<!tpu.dma_semaphore, #tpu.memory_space<semaphore_mem>>
        %dma_start3A_39 = tpu.memref_slice %arg6[%mul3A_38] : memref<131072xf32, #tpu.memory_space<hbm>> -> memref<4096xf32, #tpu.memory_space<hbm>>
        %dma_start3A_40 = tpu.memref_slice %arg6[%mul3A_38] : memref<131072xf32, #tpu.memory_space<hbm>> -> memref<4096xf32, #tpu.memory_space<hbm>>
        tpu.enqueue_dma source(%arg12 : memref<4096xf32, #tpu.memory_space<vmem>>) target(%dma_start3A_40 : memref<4096xf32, #tpu.memory_space<hbm>>) target_semaphore(%run_scoped3A : memref<!tpu.dma_semaphore, #tpu.memory_space<semaphore_mem>>)
        %dma_wait3A_41 = tpu.memref_slice %arg6[%mul3A_38] : memref<131072xf32, #tpu.memory_space<hbm>> -> memref<4096xf32, #tpu.memory_space<hbm>>
        %dma_wait3A_42 = tpu.memref_slice %arg6[%mul3A_38] : memref<131072xf32, #tpu.memory_space<hbm>> -> memref<4096xf32, #tpu.memory_space<hbm>>
        tpu.wait_dma2 semaphore(%run_scoped3A : memref<!tpu.dma_semaphore, #tpu.memory_space<semaphore_mem>>) src(%arg12 : memref<4096xf32, #tpu.memory_space<vmem>>) dst(%dma_wait3A_42 : memref<4096xf32, #tpu.memory_space<hbm>>)
        tpu.yield
      }) : () -> ()
    } else {
    }
    return
  }
}

module attributes {stable_mosaic.version = 14 : i64} {
  func.func @_tc_router_body(%arg0: i32, %arg1: memref<2048x1024xf32, #tpu.memory_space<vmem>>, %arg2: memref<16x1024xf32, #tpu.memory_space<vmem>>, %arg3: memref<1x16xf32, #tpu.memory_space<vmem>>, %arg4: memref<2048x16xf32, #tpu.memory_space<vmem>>, %arg5: memref<2048x1xf32, #tpu.memory_space<vmem>>, %arg6: memref<2048x1xi32, #tpu.memory_space<vmem>>, %arg7: memref<1x1xf32, #tpu.memory_space<vmem>>, %arg8: memref<1x16xf32, #tpu.memory_space<vmem>>, %arg9: memref<2x16xf32, #tpu.memory_space<vmem>>) attributes {dimension_semantics = [#tpu.dimension_semantics<arbitrary>], iteration_bounds = array<i64: 4>, scalar_prefetch = 0 : i64, scratch_operands = 1 : i64, tpu.core_type = #tpu.core_type<tc>, window_params = [{transform_indices = @transform_0, window_bounds = array<i64: 2048, 1024>}, {pipeline_mode = #tpu.pipeline_mode<synchronous>, transform_indices = @transform_1, window_bounds = array<i64: 16, 1024>}, {pipeline_mode = #tpu.pipeline_mode<synchronous>, transform_indices = @transform_2, window_bounds = array<i64: 1, 16>}, {transform_indices = @transform_3, window_bounds = array<i64: 2048, 16>}, {transform_indices = @transform_4, window_bounds = array<i64: 2048, 1>}, {transform_indices = @transform_5, window_bounds = array<i64: 2048, 1>}, {pipeline_mode = #tpu.pipeline_mode<synchronous>, transform_indices = @transform_6, window_bounds = array<i64: 1, 1>}, {pipeline_mode = #tpu.pipeline_mode<synchronous>, transform_indices = @transform_7, window_bounds = array<i64: 1, 16>}]} {
    %get3A = arith.constant 0 : index
    %get3A_0 = arith.constant 0 : index
    %get3A_1 = vector.load %arg1[%get3A, %get3A_0] : memref<2048x1024xf32, #tpu.memory_space<vmem>>, vector<2048x1024xf32>
    %get3A_2 = arith.constant 0 : index
    %get3A_3 = arith.constant 0 : index
    %get3A_4 = vector.load %arg2[%get3A_2, %get3A_3] : memref<16x1024xf32, #tpu.memory_space<vmem>>, vector<16x1024xf32>
    %dot_general3A = arith.constant dense<0.000000e+00> : vector<2048x16xf32>
    %dot_general3A_5 = tpu.matmul %get3A_1, %get3A_4, %dot_general3A {dimension_numbers = #tpu.dot_dimension_numbers<[1], [1], [0], [0], [0, 0, 1, 0], [], []>, transpose_lhs_hint = false} : vector<2048x1024xf32>, vector<16x1024xf32>, vector<2048x16xf32> -> vector<2048x16xf32>
    %get3A_6 = arith.constant 0 : index
    %get3A_7 = arith.constant 0 : index
    %get3A_8 = vector.load %arg3[%get3A_6, %get3A_7] : memref<1x16xf32, #tpu.memory_space<vmem>>, vector<1x16xf32>
    %add3A = vector.broadcast %get3A_8 : vector<1x16xf32> to vector<2048x16xf32>
    %add3A_9 = arith.addf %dot_general3A_5, %add3A : vector<2048x16xf32>
    %reduce_max3A = arith.constant dense<0xFF800000> : vector<2048xf32>
    %reduce_max3A_10 = vector.multi_reduction <maximumf>, %add3A_9, %reduce_max3A [1] : vector<2048x16xf32> to vector<2048xf32>
    %broadcast_in_dim3A = vector.shape_cast %reduce_max3A_10 : vector<2048xf32> to vector<2048x1xf32>
    %sub3A = vector.broadcast %broadcast_in_dim3A : vector<2048x1xf32> to vector<2048x16xf32>
    %sub3A_11 = arith.subf %add3A_9, %sub3A : vector<2048x16xf32>
    %exp3A = math.exp %sub3A_11 : vector<2048x16xf32>
    %reduce_sum3A = arith.constant dense<0.000000e+00> : vector<2048xf32>
    %reduce_sum3A_12 = vector.multi_reduction <add>, %exp3A, %reduce_sum3A [1] : vector<2048x16xf32> to vector<2048xf32>
    %broadcast_in_dim3A_13 = vector.shape_cast %reduce_sum3A_12 : vector<2048xf32> to vector<2048x1xf32>
    %div3A = vector.broadcast %broadcast_in_dim3A_13 : vector<2048x1xf32> to vector<2048x16xf32>
    %div3A_14 = arith.divf %exp3A, %div3A : vector<2048x16xf32>
    %swap3A = arith.constant 0 : index
    %swap3A_15 = arith.constant 0 : index
    %swap3A_16 = vector.load %arg4[%swap3A, %swap3A_15] : memref<2048x16xf32, #tpu.memory_space<vmem>>, vector<2048x16xf32>
    tpu.vector_store %arg4[%swap3A, %swap3A_15], %div3A_14 {strides = array<i32>} : memref<2048x16xf32, #tpu.memory_space<vmem>>, vector<2048x16xf32>,
    %reduce_max3A_17 = arith.constant dense<0xFF800000> : vector<2048xf32>
    %reduce_max3A_18 = vector.multi_reduction <maximumf>, %div3A_14, %reduce_max3A_17 [1] : vector<2048x16xf32> to vector<2048xf32>
    %broadcast_in_dim3A_19 = vector.shape_cast %reduce_max3A_18 : vector<2048xf32> to vector<2048x1xf32>
    %iota3A = tpu.iota {dimensions = array<i32: 1>} : vector<2048x16xi32>
    %eq3A = vector.broadcast %broadcast_in_dim3A_19 : vector<2048x1xf32> to vector<2048x16xf32>
    %eq3A_20 = arith.cmpf oeq, %div3A_14, %eq3A : vector<2048x16xf32>
    %jit3A = arith.constant 16 : i32
    %broadcast_in_dim3A_21 = vector.broadcast %jit3A : i32 to vector<2048x16xi32>
    %select_n3A = arith.select %eq3A_20, %iota3A, %broadcast_in_dim3A_21 : vector<2048x16xi1>, vector<2048x16xi32>
    %reduce_min3A = arith.constant dense<2147483647> : vector<2048xi32>
    %reduce_min3A_22 = vector.multi_reduction <minsi>, %select_n3A, %reduce_min3A [1] : vector<2048x16xi32> to vector<2048xi32>
    %broadcast_in_dim3A_23 = vector.shape_cast %reduce_min3A_22 : vector<2048xi32> to vector<2048x1xi32>
    %min3A = arith.constant 15 : i32
    %min3A_24 = vector.broadcast %min3A : i32 to vector<2048x1xi32>
    %min3A_25 = arith.minsi %broadcast_in_dim3A_23, %min3A_24 : vector<2048x1xi32>
    %swap3A_26 = arith.constant 0 : index
    %swap3A_27 = arith.constant 0 : index
    %swap3A_28 = vector.load %arg5[%swap3A_26, %swap3A_27] : memref<2048x1xf32, #tpu.memory_space<vmem>>, vector<2048x1xf32>
    tpu.vector_store %arg5[%swap3A_26, %swap3A_27], %broadcast_in_dim3A_19 {strides = array<i32>} : memref<2048x1xf32, #tpu.memory_space<vmem>>, vector<2048x1xf32>,
    %swap3A_29 = arith.constant 0 : index
    %swap3A_30 = arith.constant 0 : index
    %swap3A_31 = vector.load %arg6[%swap3A_29, %swap3A_30] : memref<2048x1xi32, #tpu.memory_space<vmem>>, vector<2048x1xi32>
    tpu.vector_store %arg6[%swap3A_29, %swap3A_30], %min3A_25 {strides = array<i32>} : memref<2048x1xi32, #tpu.memory_space<vmem>>, vector<2048x1xi32>,
    %eq3A_32 = arith.constant 0 : i32
    %eq3A_33 = arith.cmpi eq, %arg0, %eq3A_32 : i32
    %convert_element_type3A = arith.extui %eq3A_33 : i1 to i32
    %cond3A = arith.constant 0 : i32
    %cond3A_34 = arith.cmpi ne, %convert_element_type3A, %cond3A : i32
    scf.if %cond3A_34 {
      %broadcast_in_dim3A_65 = arith.constant 0.000000e+00 : f32
      %broadcast_in_dim3A_66 = vector.broadcast %broadcast_in_dim3A_65 : f32 to vector<2x16xf32>
      %swap3A_67 = arith.constant 0 : index
      %swap3A_68 = arith.constant 0 : index
      %swap3A_69 = vector.load %arg9[%swap3A_67, %swap3A_68] : memref<2x16xf32, #tpu.memory_space<vmem>>, vector<2x16xf32>
      tpu.vector_store %arg9[%swap3A_67, %swap3A_68], %broadcast_in_dim3A_66 {strides = array<i32>} : memref<2x16xf32, #tpu.memory_space<vmem>>, vector<2x16xf32>,
    } else {
    }
    %eq3A_35 = vector.broadcast %min3A_25 : vector<2048x1xi32> to vector<2048x16xi32>
    %eq3A_36 = arith.cmpi eq, %iota3A, %eq3A_35 : vector<2048x16xi32>
    %convert_element_type3A_37 = arith.extui %eq3A_36 : vector<2048x16xi1> to vector<2048x16xi32>
    %convert_element_type3A_38 = arith.sitofp %convert_element_type3A_37 : vector<2048x16xi32> to vector<2048x16xf32>
    %get3A_39 = arith.constant 0 : index
    %get3A_40 = arith.constant 0 : index
    %get3A_41 = vector.load %arg9[%get3A_39, %get3A_40] : memref<2x16xf32, #tpu.memory_space<vmem>>, vector<1x16xf32>
    %mul3A = vector.broadcast %broadcast_in_dim3A_19 : vector<2048x1xf32> to vector<2048x16xf32>
    %mul3A_42 = arith.mulf %convert_element_type3A_38, %mul3A : vector<2048x16xf32>
    %reduce_sum3A_43 = arith.constant dense<0.000000e+00> : vector<16xf32>
    %reduce_sum3A_44 = vector.multi_reduction <add>, %mul3A_42, %reduce_sum3A_43 [0] : vector<2048x16xf32> to vector<16xf32>
    %broadcast_in_dim3A_45 = vector.shape_cast %reduce_sum3A_44 : vector<16xf32> to vector<1x16xf32>
    %add3A_46 = arith.addf %get3A_41, %broadcast_in_dim3A_45 : vector<1x16xf32>
    %swap3A_47 = arith.constant 0 : index
    %swap3A_48 = arith.constant 0 : index
    %swap3A_49 = vector.load %arg9[%swap3A_47, %swap3A_48] : memref<2x16xf32, #tpu.memory_space<vmem>>, vector<1x16xf32>
    tpu.vector_store %arg9[%swap3A_47, %swap3A_48], %add3A_46 {strides = array<i32>} : memref<2x16xf32, #tpu.memory_space<vmem>>, vector<1x16xf32>,
    %get3A_50 = arith.constant 1 : index
    %get3A_51 = arith.constant 0 : index
    %get3A_52 = vector.load %arg9[%get3A_50, %get3A_51] : memref<2x16xf32, #tpu.memory_space<vmem>>, vector<1x16xf32>
    %reduce_sum3A_53 = arith.constant dense<0.000000e+00> : vector<16xf32>
    %reduce_sum3A_54 = vector.multi_reduction <add>, %div3A_14, %reduce_sum3A_53 [0] : vector<2048x16xf32> to vector<16xf32>
    %broadcast_in_dim3A_55 = vector.shape_cast %reduce_sum3A_54 : vector<16xf32> to vector<1x16xf32>
    %add3A_56 = arith.addf %get3A_52, %broadcast_in_dim3A_55 : vector<1x16xf32>
    %swap3A_57 = arith.constant 1 : index
    %swap3A_58 = arith.constant 0 : index
    %swap3A_59 = vector.load %arg9[%swap3A_57, %swap3A_58] : memref<2x16xf32, #tpu.memory_space<vmem>>, vector<1x16xf32>
    tpu.vector_store %arg9[%swap3A_57, %swap3A_58], %add3A_56 {strides = array<i32>} : memref<2x16xf32, #tpu.memory_space<vmem>>, vector<1x16xf32>,
    %eq3A_60 = arith.constant 3 : i32
    %eq3A_61 = arith.cmpi eq, %arg0, %eq3A_60 : i32
    %convert_element_type3A_62 = arith.extui %eq3A_61 : i1 to i32
    %cond3A_63 = arith.constant 0 : i32
    %cond3A_64 = arith.cmpi ne, %convert_element_type3A_62, %cond3A_63 : i32
    scf.if %cond3A_64 {
      %get3A_65 = arith.constant 0 : index
      %get3A_66 = arith.constant 0 : index
      %get3A_67 = vector.load %arg9[%get3A_65, %get3A_66] : memref<2x16xf32, #tpu.memory_space<vmem>>, vector<1x16xf32>
      %get3A_68 = arith.constant 1 : index
      %get3A_69 = arith.constant 0 : index
      %get3A_70 = vector.load %arg9[%get3A_68, %get3A_69] : memref<2x16xf32, #tpu.memory_space<vmem>>, vector<1x16xf32>
      %mul3A_71 = arith.mulf %get3A_67, %get3A_70 : vector<1x16xf32>
      %reduce_sum3A_72 = arith.constant dense<0.000000e+00> : vector<1xf32>
      %reduce_sum3A_73 = vector.multi_reduction <add>, %mul3A_71, %reduce_sum3A_72 [1] : vector<1x16xf32> to vector<1xf32>
      %broadcast_in_dim3A_74 = vector.shape_cast %reduce_sum3A_73 : vector<1xf32> to vector<1x1xf32>
      %mul3A_75 = arith.constant 2.38418574E-9 : f32
      %mul3A_76 = vector.broadcast %mul3A_75 : f32 to vector<1x1xf32>
      %mul3A_77 = arith.mulf %mul3A_76, %broadcast_in_dim3A_74 : vector<1x1xf32>
      %swap3A_78 = arith.constant 0 : index
      %swap3A_79 = arith.constant 0 : index
      %swap3A_80 = vector.load %arg7[%swap3A_78, %swap3A_79] : memref<1x1xf32, #tpu.memory_space<vmem>>, vector<1x1xf32>
      tpu.vector_store %arg7[%swap3A_78, %swap3A_79], %mul3A_77 {strides = array<i32>} : memref<1x1xf32, #tpu.memory_space<vmem>>, vector<1x1xf32>,
      %get3A_81 = arith.constant 0 : index
      %get3A_82 = arith.constant 0 : index
      %get3A_83 = vector.load %arg9[%get3A_81, %get3A_82] : memref<2x16xf32, #tpu.memory_space<vmem>>, vector<1x16xf32>
      %swap3A_84 = arith.constant 0 : index
      %swap3A_85 = arith.constant 0 : index
      %swap3A_86 = vector.load %arg8[%swap3A_84, %swap3A_85] : memref<1x16xf32, #tpu.memory_space<vmem>>, vector<1x16xf32>
      tpu.vector_store %arg8[%swap3A_84, %swap3A_85], %get3A_83 {strides = array<i32>} : memref<1x16xf32, #tpu.memory_space<vmem>>, vector<1x16xf32>,
    } else {
    }
    return
  }
  func.func @transform_0(%arg0: i32) -> (i32, i32) {
    %c0_i32 = arith.constant 0 : i32
    %c0_i32_0 = arith.constant 0 : i32
    return %arg0, %c0_i32 : i32, i32
  }
  func.func @transform_1(%arg0: i32) -> (i32, i32) {
    %c0_i32 = arith.constant 0 : i32
    %c0_i32_0 = arith.constant 0 : i32
    %c0_i32_1 = arith.constant 0 : i32
    return %c0_i32, %c0_i32_0 : i32, i32
  }
  func.func @transform_2(%arg0: i32) -> (i32, i32) {
    %c0_i32 = arith.constant 0 : i32
    %c0_i32_0 = arith.constant 0 : i32
    %c0_i32_1 = arith.constant 0 : i32
    return %c0_i32, %c0_i32_0 : i32, i32
  }
  func.func @transform_3(%arg0: i32) -> (i32, i32) {
    %c0_i32 = arith.constant 0 : i32
    %c0_i32_0 = arith.constant 0 : i32
    return %arg0, %c0_i32 : i32, i32
  }
  func.func @transform_4(%arg0: i32) -> (i32, i32) {
    %c0_i32 = arith.constant 0 : i32
    %c0_i32_0 = arith.constant 0 : i32
    return %arg0, %c0_i32 : i32, i32
  }
  func.func @transform_5(%arg0: i32) -> (i32, i32) {
    %c0_i32 = arith.constant 0 : i32
    %c0_i32_0 = arith.constant 0 : i32
    return %arg0, %c0_i32 : i32, i32
  }
  func.func @transform_6(%arg0: i32) -> (i32, i32) {
    %c0_i32 = arith.constant 0 : i32
    %c0_i32_0 = arith.constant 0 : i32
    %c0_i32_1 = arith.constant 0 : i32
    return %c0_i32, %c0_i32_0 : i32, i32
  }
  func.func @transform_7(%arg0: i32) -> (i32, i32) {
    %c0_i32 = arith.constant 0 : i32
    %c0_i32_0 = arith.constant 0 : i32
    %c0_i32_1 = arith.constant 0 : i32
    return %c0_i32, %c0_i32_0 : i32, i32
  }
}

</mosaic_0001>

<sc_bundles>
// kernel: kernel.4.cloned.1.call-start
scs
__scs_entry_jumppad:
0x0: {  	(pc) =	sbr.rel $0x88, $3  }
0x1: {  	(tag) =	ssettag $0x0;
	lr =	simm.s32 $0x1  }
0x2: {  	[smem:$0x3F9E] =	sst lr;
	_ =	strace $0xD0000000  }
0x3: {  	_ = 	snop  }
0x4: {  	_ = 	snop  }
0x5: {  	_ = 	snop  }
0x6: {  	_ = 	snop  }
0x7: {  	_ = 	snop  }
__scs_overlays_trampoline_lowered:
0x8: {  	[smem:$0x3FAD] =	sst s0  }
0x9: {  	[smem:$0x3FAE] =	sst s1  }
0xa: {  	[smem:$0x3FAF] =	sst s2  }
0xb: {  	[smem:$0x3FB0] =	sst s3  }
0xc: {  	[smem:$0x3FB1] =	sst s4  }
0xd: {  	[smem:$0x3FB2] =	sst s5  }
0xe: {  	[smem:$0x3FB3] =	sst s6  }
0xf: {  	[smem:$0x3FB4] =	sst s7  }
0x10: {  	[smem:$0x3FB5] =	sst s8  }
0x11: {  	[smem:$0x3FB6] =	sst s9;
	s0 =	simm.s32 @!p0 $0x0  }
0x12: {  	s1 =	sld [smem:$0x3F9C];
	s0 =	simm.s32 @p0 $0x1  }
0x13: {  	[smem:$0x3FB7] =	sst s0;
	s0 =	simm.s32 @!p1 $0x0  }
0x14: {  	s2 =	sld [smem:$0x3F9B];
	s0 =	simm.s32 @p1 $0x1  }
0x15: {  	[smem:$0x3FB8] =	sst s0;
	s0 =	simm.s32 @!p2 $0x0  }
0x16: {  	s3 =	sld [smem:$0x3FDB];
	s0 =	simm.s32 @p2 $0x1  }
0x17: {  	s4 =	simm.s32 $0x1BF5;
	[smem:$0x3FBA] =	sst s0  }
0x18: {  	s0 =	sld [smem:$0x3F9D];
	_ =	swait.ge [sflag:s4], $0x0  }
0x19: {  	s7 =	sld [smem:$0x3F9E]  }
0x1a: {  	s8 =	sadd.s32 $0xFFFFE003, lr  }
0x1b: {  	s9 =	sadd.s32 $0xFFFFFEF7, lr;
	s5 =	simm.s32 $0xFFFFFFFF;
	p2 =	slt.u32 s8, $0xFFFFF086  }
0x1c: {  	p1 =	slt.u32 s9, $0xF7A;
	s5 =	simm.s32 @!p2 $0x0  }
0x1d: {  	s5 =	simm.s32 @p1 $0x1;
	p0 =	seq.s32 s7, s2  }
0x1e: {  	s7 =	smul.u32 @!p0 $0xF7A, s2;
	p2 =	seq.s32 @!p0 s5, $0x0  }
0x1f: {  	s9 =	smul.u32 $0xF7A, s1;
	s8 =	simm.s32 @!p0 $0x1BF5;
	p2 =	por !p2, p0  }
0x20: {  	[sflag:s8] =	ssyncset.s32 @!p0 $0xFFFFF086;
	s6 =	sadd.s32 @!p0 s3, s7;
	s7 =	simm.s32 @!p0 $0x108  }
0x21: {  	s3 =	sadd.s32 s3, s9;
	s6 =	sadd.s32 @!p0 $0x88, s6;
	s7 =	simm.s32 @p2 $0x1082  }
0x22: {  	[simem:s7], [sflag:s8] =	dma.local @!p0 [hbm:s6], $0xF7A  }
0x23: {  	s9 =	sor.u32 $0xD0000000, s2;
	s6 =	simm.s32 $0x108;
	_ =	swait.ge @!p0 [sflag:s8], $0x0  }
0x24: {  	s3 =	sadd.s32 $0x88, s3;
	s6 =	simm.s32 @!p1 $0x1082;
	[sflag:s4] =	ssyncset.s32 $0xFFFFF086  }
0x25: {  	[simem:s6], [sflag:s4] =	dma.local [hbm:s3], $0xF7A  }
0x26: {  	[smem:$0x3F9E] =	sst s1;
	(tag) =	ssettag s2;
	_ =	strace s9  }
0x27: {  	s1 =	sld [smem:$0x3FAE]  }
0x28: {  	s2 =	sld [smem:$0x3FAF]  }
0x29: {  	s4 =	sld [smem:$0x3FB1]  }
0x2a: {  	p0 =	seq.s32 s5, $0x0;
	s5 =	sld [smem:$0x3FB2]  }
0x2b: {  	s6 =	sld [smem:$0x3FB3]  }
0x2c: {  	s7 =	sld [smem:$0x3FB4]  }
0x2d: {  	s3 =	simm.s32 $0x108;
	s8 =	sld [smem:$0x3FB5]  }
0x2e: {  	s3 =	simm.s32 @!p0 $0x1082;
	s9 =	sld [smem:$0x3FB6]  }
0x2f: {  	lr =	sadd.s32 s0, s3;
	s0 =	sld [smem:$0x3FAD]  }
0x30: {  	s3 =	sld [smem:$0x3FB0]  }
0x31: {  	[smem:$0x3FB9] =	sst s10  }
0x32: {  	s10 =	sld [smem:$0x3FB7];
	_ =	sdelay $0x3  }
0x33: {  	p0 =	seq.s32 s10, $0x1;
	s10 =	sld [smem:$0x3FB9];
	_ =	sdelay $0x3  }
0x34: {  	[smem:$0x3FB9] =	sst s10  }
0x35: {  	s10 =	sld [smem:$0x3FB8];
	_ =	sdelay $0x3  }
0x36: {  	p1 =	seq.s32 s10, $0x1;
	s10 =	sld [smem:$0x3FB9];
	_ =	sdelay $0x3  }
0x37: {  	[smem:$0x3FB9] =	sst s10  }
0x38: {  	s10 =	sld [smem:$0x3FBA]  }
0x39: {  	_ = 	snop;
	(pc) =	sbr.ind lr, $3  }
0x3a: {  	_ = 	snop  }
0x3b: {  	_ = 	snop  }
0x3c: {  	p2 =	seq.s32 s10, $0x1;
	s10 =	sld [smem:$0x3FB9]  }
0x3d: {  	_ =	shalt  }
0x3e: {  	_ =	shalt  }
0x3f: {  	_ =	shalt  }
0x40: {  	_ =	shalt  }
0x41: {  	_ =	shalt  }
0x42: {  	_ =	shalt  }
0x43: {  	_ =	shalt  }
0x44: {  	_ =	shalt  }
0x45: {  	_ =	shalt  }
0x46: {  	_ =	shalt  }
0x47: {  	_ =	shalt  }
0x48: {  	_ =	shalt  }
0x49: {  	_ =	shalt  }
0x4a: {  	_ =	shalt  }
0x4b: {  	_ =	shalt  }
0x4c: {  	_ =	shalt  }
0x4d: {  	_ =	shalt  }
0x4e: {  	_ =	shalt  }
0x4f: {  	_ =	shalt  }
0x50: {  	_ =	shalt  }
0x51: {  	_ =	shalt  }
0x52: {  	_ =	shalt  }
0x53: {  	_ =	shalt  }
0x54: {  	_ =	shalt  }
0x55: {  	_ =	shalt  }
0x56: {  	_ =	shalt  }
0x57: {  	_ =	shalt  }
0x58: {  	_ =	shalt  }
0x59: {  	_ =	shalt  }
0x5a: {  	_ =	shalt  }
0x5b: {  	_ =	shalt  }
0x5c: {  	_ =	shalt  }
0x5d: {  	_ =	shalt  }
0x5e: {  	_ =	shalt  }
0x5f: {  	_ =	shalt  }
0x60: {  	_ =	shalt  }
0x61: {  	_ =	shalt  }
0x62: {  	_ =	shalt  }
0x63: {  	_ =	shalt  }
0x64: {  	_ =	shalt  }
0x65: {  	_ =	shalt  }
0x66: {  	_ =	shalt  }
0x67: {  	_ =	shalt  }
0x68: {  	_ =	shalt  }
0x69: {  	_ =	shalt  }
0x6a: {  	_ =	shalt  }
0x6b: {  	_ =	shalt  }
0x6c: {  	_ =	shalt  }
0x6d: {  	_ =	shalt  }
0x6e: {  	_ =	shalt  }
0x6f: {  	_ =	shalt  }
0x70: {  	_ =	shalt  }
0x71: {  	_ =	shalt  }
0x72: {  	_ =	shalt  }
0x73: {  	_ =	shalt  }
0x74: {  	_ =	shalt  }
0x75: {  	_ =	shalt  }
0x76: {  	_ =	shalt  }
0x77: {  	_ =	shalt  }
0x78: {  	_ =	shalt  }
0x79: {  	_ =	shalt  }
0x7a: {  	_ =	shalt  }
0x7b: {  	_ =	shalt  }
0x7c: {  	_ =	shalt  }
0x7d: {  	_ =	shalt  }
0x7e: {  	_ =	shalt  }
0x7f: {  	_ =	shalt  }
0x80: {  	_ =	shalt  }
0x81: {  	_ =	shalt  }
0x82: {  	_ =	shalt  }
0x83: {  	_ =	shalt  }
0x84: {  	_ =	shalt  }
0x85: {  	_ =	shalt  }
0x86: {  	_ =	shalt  }
0x87: {  	_ =	shalt  }
.Lfunc_end0:
.L_simem_size_0:
called_computation_lowered:
.L_overlay_start_0:
0x88: {  	s2 =	sld [smem:$0x3FD9]  }
0x89: {  	s3 =	sld [smem:$0x3FFE];
	_ =	sdelay $0x1  }
0x8a: {  	s1 =	srdreg.scid  }
0x8b: {  	s0 =	sand.u32 $0x1, s1  }
0x8c: {  	s14 =	sshll.u32 s0, $0xA;
	s2 =	sadd.s32 s3, s2  }
0x8d: {  	s2 =	sadd.s32 s2, s14  }
0x8e: {  	[smem:$0x3FC5] =	sst s2  }
0x8f: {  	_ = 	snop  }
0x90: {  	s2 =	sld [smem:$0x3FD0];
	_ =	sdelay $0x2  }
0x91: {  	s15 =	simm.s32 $0xA;
	s4 =	simm.s32 $0x10  }
0x92: {  	[smem:s4], [sflag:s15] =	dma.local [hbm:s2], $0x1  }
0x93: {  	_ =	swait.eq [sflag:s15], $0x1  }
0x94: {  	[sflag:s15] =	ssyncset.done $0x0  }
0x95: {  	[sflag:s15] =	ssyncadd.s32 $0xFFFFFFFF  }
0x96: {  	s16 =	sld [smem:$0x10];
	(tm) =	ssettm $0x1  }
0x97: {  	s17 =	sld [smem:$0x3FFB];
	_ =	sdelay $0x3  }
0x98: {  	_ =	strace s17  }
0x99: {  	s3 =	sld [smem:$0x3FFC];
	_ =	sdelay $0x3  }
0x9a: {  	_ =	strace s3  }
0x9b: {  	s3 =	sld [smem:$0x3FFD];
	_ =	sdelay $0x3  }
0x9c: {  	_ =	strace s3  }
0x9d: {  	_ =	strace $0x8FFFFFFF  }
0x9e: {  	s18 =	sld [smem:$0x3FDB];
	_ =	sdelay $0x1  }
0x9f: {  	s19 =	simm.s32 $_scs_section_size  }
0xa0: {  	s5 =	simm.s32 $_size__tile_overlayer_lowered;
	s6 =	simm.s32 $_tile_overlayer_lowered  }
0xa1: {  	s22 =	simm.s32 $0x1BFF;
	s21 =	sshll.u32 s6, $0x1;
	s3 =	sadd.s32 s19, s18  }
0xa2: {  	s7 =	simm.s32 $0x0;
	s20 =	sshll.u32 s5, $0x1;
	s5 =	sadd.s32 s21, s3  }
0xa3: {  	[timem:s7], [sflag:s22] =	dma.local [hbm:s5], s20  }
0xa4: {  	_ =	swait.ge [sflag:s22], s20  }
0xa5: {  	s4 =	ssub.s32 $0x0, s20;
	[sflag:s22] =	ssyncset.done $0x0  }
0xa6: {  	[sflag:s22] =	ssyncadd.s32 s4;
	_ =	sdelay $0x1  }
0xa7: {  	s23 =	simm.s32 $0x1B8B  }
0xa8: {  	_ =	swait.ge [sflag:s23], $0x1  }
0xa9: {  	[sflag:s23] =	ssyncset.done $0x0  }
0xaa: {  	s25 =	simm.s32 $0x1B8E;
	s24 =	sld [smem:$0x3FFE];
	[sflag:s23] =	ssyncadd.s32 $0xFFFFFFFF  }
0xab: {  	s26 =	simm.s32 $execute0_lowered;
	[smem:$0x3FD2] =	sst s25  }
0xac: {  	s5 =	sshll.u32 s26, $0x1;
	_ =	strace $0x80000046;
	[dreg:$0x1] =	wrdreg $0xFFFFFFFF  }
0xad: {  	s28 =	simm.s32 $_size_execute0_lowered;
	s3 =	sadd.s32 s3, s5;
	[dreg:$0x0] =	wrdreg $0x0  }
0xae: {  	s5 =	sshll.u32 s28, $0x1;
	[dreg:$0x2] =	wrdreg s3  }
0xaf: {  	[dreg:$0x3] =	wrdreg s5  }
0xb0: {  	[dreg:$0x4] =	wrdreg $0xC0  }
0xb1: {  	_ =	task [dreg:s7], $0x5FFFF  }
0xb2: {  	[dreg:$0x1] =	wrdreg $0xFFFFFFFF  }
0xb3: {  	[dreg:$0x0] =	wrdreg $0x60  }
0xb4: {  	[dreg:$0x2] =	wrdreg s24  }
0xb5: {  	[dreg:$0x3] =	wrdreg s16  }
0xb6: {  	[dreg:$0x4] =	wrdreg $0xA4800  }
0xb7: {  	[dreg:$0x5] =	wrdreg $0xA4900  }
0xb8: {  	[dreg:$0x6] =	wrdreg $0x9  }
0xb9: {  	_ =	task.clear_ibuf [dreg:s7], $0x7FFFF;
	_ =	strace $0x90000046  }
0xba: {  	s29 =	simm.s32 $0x9;
	_ =	strace $0x80000048  }
0xbb: {  	_ =	swait.ge [sflag:s29], $0x1  }
0xbc: {  	[sflag:s29] =	ssyncadd.s32 $0xFFFFFFFF  }
0xbd: {  	_ =	strace $0x90000048  }
0xbe: {  	_ =	sfence  }
0xbf: {  	s30 =	sld [smem:$0x0];
	_ =	sdelay $0x2  }
0xc0: {  	s31 =	sshll.u32 s1, $0xD;
	s1 =	sshrl.u32 s1, $0x2  }
0xc1: {  	s3 =	sand.u32 $0x4000, s31;
	s1 =	sadd.s32 s1, s30  }
0xc2: {  	s0 =	sor.u32 s3, s0;
	s1 =	sshll.u32 s1, $0x11  }
0xc3: {  	s0 =	sor.u32 s1, s0  }
0xc4: {  	s0 =	sadd.s32 $0x8F2B, s0  }
0xc5: {  	[sflag:s0] =	ssyncadd.remote.s32 $0x1  }
0xc6: {  	_ =	sfence.sel $0xFFFF  }
0xc7: {  	[dreg:$0x0] =	wrdreg $0xFFFFFFFF;
	(pc) =	sbr.abs _section_cstart, $3  }
0xc8: {  	[dreg:$0x1] =	wrdreg $0xFFFFFFFF  }
0xc9: {  	_ =	task.clear_ibuf [dreg:s7], $0x2FFFF;
	_ =	strace $0x9FFFFFFF  }
0xca: {  	(tm) =	ssettm $0x7FFFFFFF  }
0xcb: {  	_ =	shalt  }
tec
execute0_lowered:
.L_overlay_start_1:
0x0: {  	(tag) =	ssettag $0x1  }
0x1: {  	s0 =	rddreg [dreg:$0x0]  }
0x2: {  	s1 =	rddreg [dreg:$0x1]  }
0x3: {  	s19 =	rddreg [dreg:$0x2]  }
0x4: {  	s2 =	rddreg [dreg:$0x3]  }
0x5: {  	s3 =	simm.s32 $0x0;
	s4 =	srdreg.scid;
	s6 =	stileid.u32  }
0x6: {  	s14 =	simm.s32 $0xA400;
	s16 =	simm.s32 $0x1;
	s17 =	simm.s32 $0x2  }
0x7: {  	s18 =	simm.s32 $0x3;
	s20 =	simm.s32 $0x4000;
	s21 =	simm.s32 $0x6080  }
0x8: {  	s24 =	simm.s32 $0xA100;
	s28 =	simm.s32 $0x0;
	[smem:$0x7FF] =	sst s3  }
0x9: {  	s5 =	sadd.s32 $0x200, s0;
	s22 =	sadd.s32 $0x400, s0;
	s4 =	sand.u32 $0x1, s4  }
0xa: {  	s8 =	sshll.u32 s6, $0xA;
	s7 =	sadd.s32 $0x800, s0;
	s26 =	sshll.u32 s6, $0x4  }
0xb: {  	s11 =	sshll.u32 s6, $0xB;
	s31 =	sshll.u32 s6, $0x9;
	s9 =	sshll.u32 s4, $0x9  }
0xc: {  	v0 =	vmov s6;
	s6 =	simm.s32 $0xA300;
	s13 =	sshll.u32 s4, $0xA;
	s8 =	sor.u32 s9, s8  }
0xd: {  	_ =	strace $0x80000047;
	s29 =	sor.u32 s13, s11;
	s0 =	sadd.s32 s8, s0  }
.Ltmp0:
0xe: {  	s8 =	sadd.s32 s1, s8;
	s1 =	sshrl.u32 s29, $0x2;
	(pc) =	sbr.rel .LBB2_1-.Ltmp0, $4  }
0xf: {  	s10 =	ssub.s32 $0x2, s4;
	s15 =	sadd.s32 s26, s2;
	s30 =	sor.u32 $0x2000, s1  }
0x10: {  	s4 =	sshll.u32 s4, $0x8;
	s25 =	sshrl.u32 s10, $0x1;
	s9 =	simm.s32 $0x8100;
	v5 =	vmov s30  }
0x11: {  	v1 =	vimm.f32 $0.0e+00;
	s12 =	ssub.s32 s10, s25;
	s10 =	sadd.s32 s26, s19;
	s25 =	simm.s32 $0xA200  }
0x12: {  	v3 =	vlaneseq.u32;
	v4 =	vimm.s32 $0x0;
	s11 =	sadd.s32 $0xC00, s0;
	s12 =	smax.u32 s12, $0x1;
	s0 =	sor.u32 s4, s31;
	v2 =	vmov s1  }
.LBB2_2:
0x13: {  	[hbm4b:s11+s3] =	stream.linear.scatter [tilespmem:s9], [sflag:$0x3], $0x1000, $0x38;
	[tilespmem:$0xA4A0] =	vst v63  }
.LBB2_33:
0x14: {  	_ =	swait.ge [sflag:s18], $0x1000  }
0x15: {  	[sflag:s18] =	ssyncset.done $0x0  }
0x16: {  	[sflag:s18] =	ssyncadd.s32 $0xFFFFF000  }
.LBB2_34:
0x17: {  	s28 =	sadd.s32 $0x1, s28  }
0x18: {  	p0 =	sne.s32 s28, s12  }
.Ltmp1:
0x19: {  	_ = 	snop;
	(pc) =	sbr.rel @!p0 .LBB2_35-.Ltmp1, $1  }
0x1a: {  	_ =	sdelay $0x3  }
.LBB2_1:
0x1b: {  	[tilespmem:s14], [sflag:$0x1] =	stream.linear.gather [hbm4b:s5+s3], $0x80, $0x38;
	[tilespmem:$0xA4A0] =	vst v63  }
0x1c: {  	_ = 	snop  }
0x1d: {  	[tilespmem:s9], [sflag:$0x2] =	stream.linear.gather [hbm4b:s8+s3], $0x1000, $0x38;
	[tilespmem:$0xA4A0] =	vst v63  }
0x1e: {  	_ =	swait.ge [sflag:s16], $0x80  }
0x1f: {  	[sflag:s16] =	ssyncset.done $0x0  }
0x20: {  	[sflag:s16] =	ssyncadd.s32 $0xFFFFFF80  }
0x21: {  	v6 =	vld [tilespmem:$0xA400];
	_ =	sdelay $0x4  }
0x22: {  	vm0 =	vgt.f32 v6, $5.115000000e+02  }
0x23: {  	v6 =	vmpcnt.ones.xlane vm0;
	_ =	sdelay $0x1  }
0x24: {  	(v2sf) =	vpush v6, $0x0;
	_ =	sdelay $0xe  }
0x25: {  	s1 =	spop (v2sf)  }
0x26: {  	p0 =	sne.s32 s1, $0x0  }
.Ltmp2:
0x27: {  	_ = 	snop;
	(pc) =	sbr.rel @!p0 .LBB2_2-.Ltmp2, $4  }
0x28: {  	_ = 	snop  }
0x29: {  	_ =	swait.ge [sflag:s17], $0x1000  }
0x2a: {  	[sflag:s17] =	ssyncset.done $0x0  }
0x2b: {  	[sflag:s17] =	ssyncadd.s32 $0xFFFFF000  }
0x2c: {  	p0 =	slt.s32 s1, $0x1  }
.Ltmp3:
0x2d: {  	_ = 	snop;
	(pc) =	sbr.rel @p0 .LBB2_34-.Ltmp3, $1  }
0x2e: {  	_ =	sdelay $0x3  }
0x2f: {  	s4 =	simm.s32 $0x0  }
0x30: {  	[tilespmem:s4], [sflag:$0x1] =	stream.linear.gather [hbm4b:s22+s4], $0x2000, $0x38;
	[tilespmem:$0xA4A0] =	vst v63  }
0x31: {  	s1 =	simm.s32 $0x2000  }
0x32: {  	[tilespmem:s1], [sflag:$0x1] =	stream.linear.gather [hbm4b:s7+s4], $0x2000, $0x38;
	[tilespmem:$0xA4A0] =	vst v63  }
0x33: {  	_ =	swait.ge [sflag:s16], $0x2000  }
0x34: {  	[sflag:s16] =	ssyncset.done $0x0  }
0x35: {  	[sflag:s16] =	ssyncadd.s32 $0xFFFFE000  }
0x36: {  	_ =	swait.ge [sflag:s16], $0x2000  }
0x37: {  	[sflag:s16] =	ssyncset.done $0x0  }
0x38: {  	[sflag:s16] =	ssyncadd.s32 $0xFFFFE000  }
0x39: {  	v6 =	vld.idx.msk [tilespmem:v0+s14+$0x0], $0xffff;
	_ =	sdelay $0x4  }
0x3a: {  	(v2sf) =	vpush v6, $0x0;
	_ =	sdelay $0xe  }
0x3b: {  	s31 =	spop (v2sf)  }
0x3c: {  	p0 =	sgt.f32 s31, $5.115000000e+02  }
.Ltmp4:
0x3d: {  	_ = 	snop;
	(pc) =	sbr.rel @!p0 .LBB2_29-.Ltmp4, $1  }
0x3e: {  	_ =	sdelay $0x3  }
0x3f: {  	s9 =	smov.u32 s7  }
0x40: {  	s7 =	smov.u32 s22;
	s6 =	smov.u32 s2;
	s2 =	smov.u32 s19  }
0x41: {  	v6 =	vimm.s32 $0x0;
	s13 =	simm.s32 $0xFFFFFFFC;
	s19 =	simm.s32 $0x20;
	s22 =	simm.s32 $0x2020  }
.LBB2_6:
0x42: {  	v7 =	vld [tilespmem:s22+$0xFFFFFFE0];
	_ =	sdelay $0x4  }
0x43: {  	vm0 =	veq.s32 v7, v0  }
0x44: {  	v7 =	vsel vm0, $0x3F800000, v1  }
0x45: {  	(xrf2) =	vadd.scan.msk.f32 $0xffff, v7;
	_ =	sdelay $0x9  }
0x46: {  	v7, _, _ =	vpop (xrf2)  }
0x47: {  	v7 =	vtrunc.f32 v7  }
0x48: {  	v7 =	vcvt.f32.s32 v7;
	_ =	sdelay $0x1  }
0x49: {  	v7 =	vadd.s32 v7, v6  }
0x4a: {  	v8 =	vld [tilespmem:s19+$0xFFFFFFE0];
	v7 =	vadd.s32 $0xFFFFFFFF, v7;
	_ =	sdelay $0x4  }
0x4b: {  	[tilespmem:v7+s20+$0x0] =	vst.idx.msk vm0, v8;
	v8 =	vor.u32 s4, v3  }
0x4c: {  	[tilespmem:v7+s21+$0x0] =	vst.idx.msk vm0, v8  }
0x4d: {  	v7 =	vld [tilespmem:s22+$0xFFFFFFF0];
	_ =	sdelay $0x4  }
0x4e: {  	vm1 =	veq.s32 v7, v0  }
0x4f: {  	v7 =	vsel vm1, $0x3F800000, v1  }
0x50: {  	(xrf2) =	vadd.scan.msk.f32 $0xffff, v7;
	_ =	sdelay $0x9  }
0x51: {  	v7, _, _ =	vpop (xrf2)  }
0x52: {  	v8 =	vmpcnt.ones.xlane vm0;
	v7 =	vtrunc.f32 v7  }
0x53: {  	v7 =	vcvt.f32.s32 v7  }
0x54: {  	v6 =	vadd.s32 v6, v8  }
0x55: {  	v7 =	vadd.s32 v7, v6  }
0x56: {  	v8 =	vld [tilespmem:s19+$0xFFFFFFF0];
	v7 =	vadd.s32 $0xFFFFFFFF, v7;
	_ =	sdelay $0x3  }
0x57: {  	s1 =	sadd.s32 $0x10, s4  }
0x58: {  	[tilespmem:v7+s20+$0x0] =	vst.idx.msk vm1, v8;
	v8 =	vor.u32 s1, v3  }
0x59: {  	[tilespmem:v7+s21+$0x0] =	vst.idx.msk vm1, v8  }
0x5a: {  	v7 =	vld [tilespmem:s22+$0x0];
	_ =	sdelay $0x4  }
0x5b: {  	vm14 =	veq.s32 v7, v0  }
0x5c: {  	v7 =	vsel vm14, $0x3F800000, v1  }
0x5d: {  	(xrf2) =	vadd.scan.msk.f32 $0xffff, v7;
	_ =	sdelay $0x9  }
0x5e: {  	v7, _, _ =	vpop (xrf2)  }
0x5f: {  	v8 =	vmpcnt.ones.xlane vm1;
	v7 =	vtrunc.f32 v7  }
0x60: {  	v7 =	vcvt.f32.s32 v7  }
0x61: {  	v6 =	vadd.s32 v6, v8  }
0x62: {  	v7 =	vadd.s32 v7, v6  }
0x63: {  	v8 =	vld [tilespmem:s19+$0x0];
	v7 =	vadd.s32 $0xFFFFFFFF, v7;
	_ =	sdelay $0x3  }
0x64: {  	s30 =	sadd.s32 $0x20, s4  }
0x65: {  	[tilespmem:v7+s20+$0x0] =	vst.idx.msk vm14, v8;
	v8 =	vor.u32 s30, v3  }
0x66: {  	[tilespmem:v7+s21+$0x0] =	vst.idx.msk vm14, v8  }
0x67: {  	v7 =	vld [tilespmem:s22+$0x10];
	_ =	sdelay $0x4  }
0x68: {  	vm15 =	veq.s32 v7, v0  }
0x69: {  	v7 =	vsel vm15, $0x3F800000, v1  }
0x6a: {  	(xrf2) =	vadd.scan.msk.f32 $0xffff, v7;
	_ =	sdelay $0x9  }
0x6b: {  	v7, _, _ =	vpop (xrf2)  }
0x6c: {  	v8 =	vmpcnt.ones.xlane vm14;
	v7 =	vtrunc.f32 v7  }
0x6d: {  	v7 =	vcvt.f32.s32 v7  }
0x6e: {  	v6 =	vadd.s32 v6, v8  }
0x6f: {  	v7 =	vadd.s32 v7, v6  }
0x70: {  	s13 =	sadd.s32 $0x4, s13;
	v8 =	vld [tilespmem:s19+$0x10];
	v7 =	vadd.s32 $0xFFFFFFFF, v7  }
0x71: {  	p0 =	slt.u32 s13, $0x1FC  }
.Ltmp5:
0x72: {  	_ = 	snop;
	(pc) =	sbr.rel @p0 .LBB2_6-.Ltmp5, $4  }
0x73: {  	_ = 	snop  }
0x74: {  	s31 =	sadd.s32 $0x30, s4;
	v9 =	vmpcnt.ones.xlane vm15  }
0x75: {  	[tilespmem:v7+s20+$0x0] =	vst.idx.msk vm15, v8;
	v8 =	vor.u32 s31, v3  }
0x76: {  	s4 =	sadd.s32 $0x40, s4;
	s22 =	sadd.s32 $0x40, s22;
	s19 =	sadd.s32 $0x40, s19;
	v6 =	vadd.s32 v6, v9;
	[tilespmem:v7+s21+$0x0] =	vst.idx.msk vm15, v8  }
0x77: {  	(v2sf) =	vpush v6, $0x0;
	_ =	sdelay $0xe  }
0x78: {  	s1 =	spop (v2sf)  }
0x79: {  	[tilespmem:s1+$0x4000] =	vst v1  }
0x7a: {  	[tilespmem:s1+$0x6080] =	vst v4  }
0x7b: {  	[tilespmem:s1+$0x4010] =	vst v1  }
.Ltmp6:
0x7c: {  	[tilespmem:s1+$0x6090] =	vst v4;
	(pc) =	sbr.rel .LBB2_8-.Ltmp6, $4  }
0x7d: {  	[tilespmem:s1+$0x4020] =	vst v1  }
0x7e: {  	[tilespmem:s1+$0x60A0] =	vst v4;
	s4 =	sadd.s32 $0x3F, s1  }
0x7f: {  	s30 =	simm.s32 $0x3F800000;
	[tilespmem:s1+$0x4030] =	vst v1;
	s29 =	sshrl.u32 s4, $0x6  }
0x80: {  	s13 =	simm.s32 $0x0;
	[tilespmem:s1+$0x60B0] =	vst v4;
	s4 =	simm.s32 $0x0;
	p0 =	seq.s32 s29, $0x0  }
.LBB2_9:
0x81: {  	v6 =	vimm.f32 $0.0e+00  }
.LBB2_13:
0x82: {  	(xrf2) =	vadd.scan.msk.f32 $0xffff, v6;
	_ =	sdelay $0x9  }
0x83: {  	v6, _, _ =	vpop (xrf2)  }
0x84: {  	(v2sf) =	vpush v6, $0xF;
	_ =	sdelay $0xe  }
0x85: {  	s13 =	sadd.s32 $0x1, s13;
	s1 =	spop (v2sf)  }
0x86: {  	p2 =	sne.s32 s13, $0x1F;
	s1 =	sadd.f32 s19, s1  }
.Ltmp7:
0x87: {  	_ = 	snop;
	(pc) =	sbr.rel @!p2 .LBB2_14-.Ltmp7, $4  }
0x88: {  	p1 =	sle.f32 s1, $5.120000000e+02  }
0x89: {  	s1 =	sadd.s32 $0x1, s19  }
0x8a: {  	s1 =	smov.u32 @p1 s4  }
0x8b: {  	s30 =	smov.u32 @p1 s19;
	s4 =	smov.u32 s1  }
.LBB2_8:
.Ltmp8:
0x8c: {  	(pc) =	sbr.rel @p0 .LBB2_9-.Ltmp8, $3  }
0x8d: {  	_ =	sdelay $0x1  }
0x8e: {  	s1 =	sadd.s32 s4, s30  }
0x8f: {  	s19 =	sshrl.u32 s1, $0x1  }
0x90: {  	s22 =	simm.s32 $0x4020  }
0x91: {  	p1 =	sne.s32 s29, $0x1;
	v9 =	vld [tilespmem:s22+$0x10]  }
.Ltmp9:
0x92: {  	v10 =	vld [tilespmem:s22+$0xFFFFFFF0];
	(pc) =	sbr.rel @!p1 .LBB2_12-.Ltmp9, $4  }
0x93: {  	v7 =	vld [tilespmem:s22+$0x0]  }
0x94: {  	v11 =	vld [tilespmem:s22+$0xFFFFFFE0]  }
0x95: {  	v6 =	vmov s19;
	v8 =	vimm.f32 $0.0e+00;
	v14 =	vimm.f32 $0.0e+00  }
0x96: {  	s1 =	sadd.s32 $0xFFFFFFFF, s29;
	v12 =	vimm.f32 $0.0e+00;
	v13 =	vimm.f32 $0.0e+00;
	s22 =	simm.s32 $0x4060;
	vm0 =	vgt.f32 v9, v6  }
.LBB2_11:
0x97: {  	p1 =	sne.s32 s1, $0x1;
	s1 =	sadd.s32 $0xFFFFFFFF, s1;
	vm1 =	vgt.f32 v10, v6;
	v15 =	vnsel vm0, $0x0, v9;
	v9 =	vld [tilespmem:s22+$0x10]  }
.Ltmp10:
0x98: {  	v16 =	vnsel vm1, $0x0, v10;
	v10 =	vld [tilespmem:s22+$0xFFFFFFF0];
	vm0 =	vgt.f32 v7, v6;
	v8 =	vadd.f32 v15, v8;
	(pc) =	sbr.rel @p1 .LBB2_11-.Ltmp10, $4  }
0x99: {  	vm1 =	vgt.f32 v11, v6;
	v14 =	vadd.f32 v16, v14;
	v15 =	vnsel vm0, $0x0, v7;
	v7 =	vld [tilespmem:s22+$0x0]  }
0x9a: {  	v16 =	vnsel vm1, $0x0, v11;
	v11 =	vld [tilespmem:s22+$0xFFFFFFE0];
	v12 =	vadd.f32 v15, v12  }
0x9b: {  	v13 =	vadd.f32 v16, v13  }
0x9c: {  	s22 =	sadd.s32 $0x40, s22;
	vm0 =	vgt.f32 v9, v6  }
.LBB2_12:
0x9d: {  	vm1 =	vgt.f32 v10, v6  }
0x9e: {  	v9 =	vnsel vm0, $0x0, v9;
	v10 =	vnsel vm1, $0x0, v10  }
0x9f: {  	vm14 =	vgt.f32 v7, v6;
	v8 =	vadd.f32 v9, v8;
	vm15 =	vgt.f32 v11, v6  }
0xa0: {  	v6 =	vadd.f32 v10, v14;
	v7 =	vnsel vm14, $0x0, v7;
	v63 =	vnsel vm15, $0x0, v11  }
0xa1: {  	v7 =	vadd.f32 v7, v12;
	v9 =	vadd.f32 v63, v13  }
.Ltmp11:
0xa2: {  	_ = 	snop;
	(pc) =	sbr.rel .LBB2_13-.Ltmp11, $2  }
0xa3: {  	v7 =	vadd.f32 v8, v7;
	v6 =	vadd.f32 v6, v9;
	_ =	sdelay $0x1  }
0xa4: {  	v6 =	vadd.f32 v7, v6;
	_ =	sdelay $0x1  }
.LBB2_29:
.Ltmp12:
0xa5: {  	(pc) =	sbr.rel .LBB2_30-.Ltmp12, $2  }
0xa6: {  	_ =	sdelay $0x2  }
0xa7: {  	[tilespmem:$0xA300] =	vst v1;
	v6 =	vimm.s32 $0x2000  }
.LBB2_14:
.Ltmp13:
0xa8: {  	(pc) =	sbr.rel @p0 .LBB2_18-.Ltmp13, $2  }
0xa9: {  	_ =	sdelay $0x2  }
0xaa: {  	v6 =	vmov s30;
	s4 =	simm.s32 $0x4020;
	v7 =	vimm.f32 $0.0e+00  }
0xab: {  	v11 =	vld [tilespmem:s4+$0x10];
	p1 =	sne.s32 s29, $0x1  }
.Ltmp14:
0xac: {  	v10 =	vld [tilespmem:s4+$0xFFFFFFF0];
	(pc) =	sbr.rel @!p1 .LBB2_17-.Ltmp14, $4  }
0xad: {  	v8 =	vld [tilespmem:s4+$0x0]  }
0xae: {  	v9 =	vld [tilespmem:s4+$0xFFFFFFE0]  }
0xaf: {  	v14 =	vimm.f32 $0.0e+00  }
0xb0: {  	s1 =	sadd.s32 $0xFFFFFFFF, s29;
	s4 =	sadd.s32 $0x40, s4;
	v12 =	vimm.f32 $0.0e+00;
	v13 =	vimm.f32 $0.0e+00;
	vm0 =	vgt.f32 v11, v6  }
.LBB2_16:
0xb1: {  	p1 =	sne.s32 s1, $0x1;
	s1 =	sadd.s32 $0xFFFFFFFF, s1;
	vm1 =	vgt.f32 v10, v6;
	v15 =	vnsel vm0, $0x0, v11;
	v11 =	vld [tilespmem:s4+$0x10]  }
.Ltmp15:
0xb2: {  	v16 =	vnsel vm1, $0x0, v10;
	v10 =	vld [tilespmem:s4+$0xFFFFFFF0];
	vm0 =	vgt.f32 v8, v6;
	v7 =	vadd.f32 v15, v7;
	(pc) =	sbr.rel @p1 .LBB2_16-.Ltmp15, $4  }
0xb3: {  	vm1 =	vgt.f32 v9, v6;
	v14 =	vadd.f32 v16, v14;
	v15 =	vnsel vm0, $0x0, v8;
	v8 =	vld [tilespmem:s4+$0x0]  }
0xb4: {  	v16 =	vnsel vm1, $0x0, v9;
	v9 =	vld [tilespmem:s4+$0xFFFFFFE0];
	v12 =	vadd.f32 v15, v12  }
0xb5: {  	v13 =	vadd.f32 v16, v13  }
0xb6: {  	s4 =	sadd.s32 $0x40, s4;
	vm0 =	vgt.f32 v11, v6  }
.LBB2_17:
0xb7: {  	vm1 =	vgt.f32 v10, v6  }
0xb8: {  	v11 =	vnsel vm0, $0x0, v11;
	v10 =	vnsel vm1, $0x0, v10  }
0xb9: {  	vm14 =	vgt.f32 v8, v6;
	v7 =	vadd.f32 v11, v7;
	vm15 =	vgt.f32 v9, v6  }
0xba: {  	v10 =	vadd.f32 v10, v14;
	v8 =	vnsel vm14, $0x0, v8;
	v9 =	vnsel vm15, $0x0, v9  }
0xbb: {  	v8 =	vadd.f32 v8, v12;
	v9 =	vadd.f32 v9, v13;
	_ =	sdelay $0x1  }
0xbc: {  	v7 =	vadd.f32 v7, v8;
	v9 =	vadd.f32 v10, v9;
	_ =	sdelay $0x1  }
0xbd: {  	v7 =	vadd.f32 v7, v9  }
.LBB2_18:
0xbe: {  	_ = 	snop  }
0xbf: {  	(xrf2) =	vadd.scan.msk.f32 $0xffff, v7;
	_ =	sdelay $0x9  }
0xc0: {  	v7, _, _ =	vpop (xrf2)  }
0xc1: {  	(v2sf) =	vpush v7, $0xF;
	_ =	sdelay $0xa  }
.Ltmp16:
0xc2: {  	_ = 	snop;
	(pc) =	sbr.rel .LBB2_19-.Ltmp16, $3  }
0xc3: {  	_ =	sdelay $0x1  }
0xc4: {  	s4 =	simm.s32 $0x0  }
0xc5: {  	s19 =	simm.s32 $0x1FFF;
	s31 =	simm.s32 $0x0;
	s13 =	spop (v2sf)  }
.LBB2_20:
0xc6: {  	v7 =	vimm.f32 $0.0e+00  }
.LBB2_27:
0xc7: {  	(xrf2) =	vadd.scan.msk.f32 $0xffff, v7;
	_ =	sdelay $0x9  }
0xc8: {  	v7, _, _ =	vpop (xrf2)  }
0xc9: {  	(v2sf) =	vpush v7, $0xF;
	_ =	sdelay $0xe  }
0xca: {  	s1 =	spop (v2sf)  }
0xcb: {  	s1 =	smul.f32 s30, s1  }
0xcc: {  	s31 =	sadd.s32 $0x1, s31  }
0xcd: {  	p2 =	sne.s32 s31, $0xE;
	s1 =	sadd.f32 s1, s13  }
.Ltmp17:
0xce: {  	_ = 	snop;
	(pc) =	sbr.rel @!p2 .LBB2_28-.Ltmp17, $4  }
0xcf: {  	p1 =	sle.f32 s1, $5.120000000e+02  }
0xd0: {  	s1 =	sadd.s32 $0xFFFFFFFF, s22  }
0xd1: {  	s1 =	smov.u32 @p1 s19  }
0xd2: {  	s4 =	smov.u32 @p1 s22;
	s19 =	smov.u32 s1  }
.LBB2_19:
.Ltmp18:
0xd3: {  	(pc) =	sbr.rel @p0 .LBB2_20-.Ltmp18, $4  }
0xd4: {  	_ = 	snop  }
0xd5: {  	s1 =	sadd.s32 s19, s4  }
0xd6: {  	s1 =	sadd.s32 $0x1, s1  }
0xd7: {  	s22 =	sshrl.u32 s1, $0x1  }
0xd8: {  	p2 =	sne.s32 s29, $0x1  }
.Ltmp19:
0xd9: {  	_ = 	snop;
	(pc) =	sbr.rel @!p2 .LBB2_22-.Ltmp19, $4  }
0xda: {  	_ = 	snop  }
0xdb: {  	s23 =	simm.s32 $0x4020  }
0xdc: {  	s26 =	simm.s32 $0x60A0;
	v9 =	vld [tilespmem:s23+$0x10]  }
0xdd: {  	v7 =	vmov s22;
	v8 =	vimm.f32 $0.0e+00;
	s1 =	sadd.s32 $0xFFFFFFFF, s29;
	p1 =	por $0x0, $0x0;
	v11 =	vld [tilespmem:s26+$0x10]  }
0xde: {  	v10 =	vld [tilespmem:s23+$0xFFFFFFF0]  }
0xdf: {  	v13 =	vld [tilespmem:s26+$0xFFFFFFE0]  }
0xe0: {  	v12 =	vld [tilespmem:s23+$0x0];
	p2 =	sne.s32 s1, $0x1  }
.Ltmp20:
0xe1: {  	v15 =	vld [tilespmem:s26+$0xFFFFFFF0];
	(pc) =	sbr.rel @!p2 .LBB2_24-.Ltmp20, $4  }
0xe2: {  	v17 =	vld [tilespmem:s26+$0x0];
	vm0 =	veq.f32 v9, v6;
	vm1 =	vle.s32 v11, v7  }
0xe3: {  	v16 =	vld [tilespmem:s23+$0xFFFFFFE0];
	s23 =	simm.s32 $0x4060;
	v14 =	vimm.f32 $0.0e+00;
	vm1 =	vmand vm0, vm1;
	vm0 =	veq.f32 v10, v6  }
0xe4: {  	s26 =	simm.s32 $0x60E0;
	v9 =	vld [tilespmem:s23+$0x10];
	vm2 =	vle.s32 v13, v7;
	v13 =	vimm.f32 $0.0e+00;
	v10 =	vsel vm1, $0x3F800000, v1  }
0xe5: {  	s1 =	sadd.s32 $0xFFFFFFFF, s1;
	p1 =	por $0x1, $0x1;
	v11 =	vld [tilespmem:s26+$0x10];
	vm1 =	veq.f32 v12, v6;
	v12 =	vimm.f32 $0.0e+00;
	v10 =	vadd.f32 v10, v8  }
.LBB2_25:
0xe6: {  	p2 =	sne.s32 s1, $0x1;
	v18 =	vld [tilespmem:s23+$0xFFFFFFF0];
	vm3 =	vle.s32 v15, v7  }
0xe7: {  	v19 =	vld [tilespmem:s23+$0x0];
	vm0 =	vmand vm0, vm3;
	vm3 =	vle.s32 v17, v7  }
0xe8: {  	v20 =	vld [tilespmem:s26+$0xFFFFFFE0];
	vm4 =	veq.f32 v16, v6;
	v16 =	vsel vm0, $0x3F800000, v1;
	vm0 =	vmand vm1, vm3  }
.Ltmp21:
0xe9: {  	v15 =	vld [tilespmem:s26+$0xFFFFFFF0];
	vm1 =	vmand vm4, vm2;
	v12 =	vadd.f32 v16, v12;
	v21 =	vsel vm0, $0x3F800000, v1;
	(pc) =	sbr.rel @p2 .LBB2_25-.Ltmp21, $4  }
0xea: {  	vm2 =	veq.f32 v9, v6;
	v17 =	vld [tilespmem:s26+$0x0];
	vm3 =	vle.s32 v11, v7;
	v9 =	vsel vm1, $0x3F800000, v1  }
0xeb: {  	v16 =	vld [tilespmem:s23+$0xFFFFFFE0];
	vm0 =	veq.f32 v18, v6;
	vm2 =	vmand vm2, vm3;
	s23 =	sadd.s32 $0x40, s23;
	v13 =	vadd.f32 v9, v13  }
0xec: {  	s26 =	sadd.s32 $0x40, s26;
	v14 =	vadd.f32 v21, v14;
	v9 =	vld [tilespmem:s23+$0x10];
	vm1 =	veq.f32 v19, v6;
	v18 =	vsel vm2, $0x3F800000, v1  }
0xed: {  	s1 =	sadd.s32 $0xFFFFFFFF, s1;
	v11 =	vld [tilespmem:s26+$0x10];
	vm2 =	vle.s32 v20, v7;
	v10 =	vadd.f32 v18, v10  }
.LBB2_26:
0xee: {  	v18 =	vld [tilespmem:s23+$0xFFFFFFF0]  }
0xef: {  	v58 =	vld [tilespmem:s23+$0x0]  }
0xf0: {  	vm3 =	vle.s32 @p1 v15, v7;
	v59 =	vld [tilespmem:s26+$0xFFFFFFE0]  }
0xf1: {  	v19 =	vld [tilespmem:s26+$0xFFFFFFF0];
	vm0 =	vmand @p1 vm0, vm3;
	vm3 =	vle.s32 @p1 v17, v7  }
0xf2: {  	v20 =	vld [tilespmem:s26+$0x0];
	vm4 =	veq.f32 @p1 v16, v6;
	v16 =	vsel @p1 vm0, $0x3F800000, v1;
	vm0 =	vmand @p1 vm1, vm3  }
0xf3: {  	v60 =	vld [tilespmem:s23+$0xFFFFFFE0];
	vm1 =	vmand @p1 vm4, vm2;
	v12 =	vadd.f32 @p1 v16, v12;
	v16 =	vsel @p1 vm0, $0x3F800000, v1  }
0xf4: {  	vm7 =	veq.f32 v9, v6;
	vm8 =	vle.s32 v11, v7;
	v9 =	vsel @p1 vm1, $0x3F800000, v1  }
0xf5: {  	v14 =	vadd.f32 @p1 v16, v14;
	vm9 =	veq.f32 v18, v6;
	vm0 =	vmand vm7, vm8  }
0xf6: {  	v9 =	vadd.f32 @p1 v9, v13;
	vm10 =	veq.f32 v58, v6;
	vm11 =	vle.s32 v59, v7  }
0xf7: {  	v12 =	vpsel p1, v12, v8;
	vm12 =	vle.s32 v19, v7;
	vm13 =	vle.s32 v20, v7  }
0xf8: {  	vm14 =	veq.f32 v60, v6;
	v61 =	vsel vm0, $0x3F800000, v1;
	vm1 =	vmand vm9, vm12  }
0xf9: {  	vm15 =	vmand vm10, vm13;
	vm0 =	vmand vm14, vm11;
	v10 =	vadd.f32 v61, v10  }
0xfa: {  	v9 =	vpsel p1, v9, v8;
	v8 =	vpsel p1, v14, v8;
	v7 =	vsel vm1, $0x3F800000, v1  }
0xfb: {  	v62 =	vsel vm15, $0x3F800000, v1;
	v63 =	vsel vm0, $0x3F800000, v1;
	v7 =	vadd.f32 v7, v12  }
0xfc: {  	v9 =	vadd.f32 v63, v9;
	v8 =	vadd.f32 v62, v8  }
.Ltmp22:
0xfd: {  	_ = 	snop;
	(pc) =	sbr.rel .LBB2_27-.Ltmp22, $2  }
0xfe: {  	v7 =	vadd.f32 v7, v9;
	v8 =	vadd.f32 v10, v8;
	_ =	sdelay $0x1  }
0xff: {  	v7 =	vadd.f32 v8, v7;
	_ =	sdelay $0x1  }
.LBB2_22:
.Ltmp23:
0x100: {  	(pc) =	sbr.rel .LBB2_26-.Ltmp23, $3  }
0x101: {  	_ =	sdelay $0x1  }
0x102: {  	v12 =	vimm.f32 $0.0e+00  }
0x103: {  	v13 =	vimm.f32 $0.0e+00;
	v14 =	vimm.f32 $0.0e+00;
	v10 =	vimm.f32 $0.0e+00  }
.LBB2_24:
.Ltmp24:
0x104: {  	(pc) =	sbr.rel .LBB2_26-.Ltmp24, $2  }
0x105: {  	_ =	sdelay $0x2  }
0x106: {  	v12 =	vimm.f32 $0.0e+00;
	v13 =	vimm.f32 $0.0e+00;
	v14 =	vimm.f32 $0.0e+00  }
.LBB2_28:
0x107: {  	p0 =	sgt.f32 s30, $0.0e+00  }
0x108: {  	s19 =	smov.u32 s2  }
0x109: {  	s2 =	smov.u32 s6;
	s22 =	smov.u32 s7;
	s4 =	simm.s32 @!p0 $0x2000  }
0x10a: {  	[tilespmem:$0xA300] =	vst v6;
	s7 =	smov.u32 s9;
	s9 =	simm.s32 $0x8100;
	s6 =	simm.s32 $0xA300;
	v6 =	vmov s4  }
.LBB2_30:
0x10b: {  	[tilespmem:$0xA380] =	vst v6  }
0x10c: {  	[spmem:s10] =	stream.linear.scatter [tilespmem:s6], [sflag:$0x3], $0x10, $0x38;
	[tilespmem:$0xA4A0] =	vst v63  }
0x10d: {  	_ =	swait.ge [sflag:s18], $0x10  }
0x10e: {  	[sflag:s18] =	ssyncset.done $0x0  }
0x10f: {  	s1 =	simm.s32 $0xA380;
	[sflag:s18] =	ssyncadd.s32 $0xFFFFFFF0  }
0x110: {  	[spmem:s15] =	stream.linear.scatter [tilespmem:s1], [sflag:$0x3], $0x10, $0x38;
	[tilespmem:$0xA4A0] =	vst v63  }
0x111: {  	_ =	swait.ge [sflag:s18], $0x10  }
0x112: {  	[sflag:s18] =	ssyncset.done $0x0  }
0x113: {  	[sflag:s18] =	ssyncadd.s32 $0xFFFFFFF0  }
0x114: {  	[bflag:$0x0] =	sbarrier.arrive $0xFFFF  }
0x115: {  	[tilespmem:s24], [sflag:$0x3] =	stream.linear.gather [spmem:s19], $0x100, $0x38;
	[tilespmem:$0xA4A0] =	vst v63  }
0x116: {  	_ =	swait.ge [sflag:s18], $0x100  }
0x117: {  	[sflag:s18] =	ssyncset.done $0x0  }
0x118: {  	[sflag:s18] =	ssyncadd.s32 $0xFFFFFF00  }
0x119: {  	[tilespmem:s25], [sflag:$0x3] =	stream.linear.gather [spmem:s2], $0x100, $0x38;
	[tilespmem:$0xA4A0] =	vst v63  }
0x11a: {  	_ =	swait.ge [sflag:s18], $0x100  }
0x11b: {  	[sflag:s18] =	ssyncset.done $0x0  }
0x11c: {  	s26 =	simm.s32 $0x0;
	[sflag:s18] =	ssyncadd.s32 $0xFFFFFF00  }
0x11d: {  	v6 =	vld.idx.msk [tilespmem:v5+s26+$0x0 ss:$0x1], $0xffff;
	_ =	sdelay $0x4  }
0x11e: {  	v6 =	vshll.u32 v6, $0x4;
	_ =	sdelay $0x3  }
0x11f: {  	v7 =	vld.idx.msk [tilespmem:v2+s26+$0x0 ss:$0x1], $0xffff  }
0x120: {  	v8 =	vld.idx.msk [tilespmem:v6+s24+$0x0], $0xffff  }
0x121: {  	v6 =	vld.idx.msk [tilespmem:v6+s25+$0x0], $0xffff;
	_ =	sdelay $0x3  }
0x122: {  	v9 =	vor.u32 s0, v3  }
0x123: {  	s29 =	simm.s32 $0x8180;
	vm0 =	veq.f32 v7, v8;
	vm1 =	vle.s32 v9, v6  }
0x124: {  	vm2 =	vgt.f32 v7, v8;
	v6 =	vld [tilespmem:s29+$0xFFFFFF80];
	vm0 =	vmand vm0, vm1  }
0x125: {  	vm0 =	vmor vm2, vm0  }
0x126: {  	v7 =	vsel vm0, $0x3F800000, v1  }
0x127: {  	v8 =	vbroadcast v7, $0x0;
	_ =	sdelay $0x1  }
0x128: {  	v6 =	vmul.f32 v8, v6  }
0x129: {  	s30 =	simm.s32 $0x9180  }
0x12a: {  	[tilespmem:s30+$0xFFFFFF80] =	vst v6  }
0x12b: {  	v6 =	vld [tilespmem:s29+$0xFFFFFF90];
	_ =	sdelay $0x2  }
0x12c: {  	v8 =	vbroadcast v7, $0x1;
	_ =	sdelay $0x1  }
0x12d: {  	v6 =	vmul.f32 v8, v6;
	_ =	sdelay $0x1  }
0x12e: {  	[tilespmem:s30+$0xFFFFFF90] =	vst v6  }
0x12f: {  	v6 =	vld [tilespmem:s29+$0xFFFFFFA0];
	_ =	sdelay $0x2  }
0x130: {  	v8 =	vbroadcast v7, $0x2;
	_ =	sdelay $0x1  }
0x131: {  	v6 =	vmul.f32 v8, v6;
	_ =	sdelay $0x1  }
0x132: {  	[tilespmem:s30+$0xFFFFFFA0] =	vst v6  }
0x133: {  	v6 =	vld [tilespmem:s29+$0xFFFFFFB0];
	_ =	sdelay $0x2  }
0x134: {  	v8 =	vbroadcast v7, $0x3;
	_ =	sdelay $0x1  }
0x135: {  	v6 =	vmul.f32 v6, v8;
	_ =	sdelay $0x1  }
0x136: {  	[tilespmem:s30+$0xFFFFFFB0] =	vst v6  }
0x137: {  	v6 =	vld [tilespmem:s29+$0xFFFFFFC0];
	_ =	sdelay $0x2  }
0x138: {  	v8 =	vbroadcast v7, $0x4;
	_ =	sdelay $0x1  }
0x139: {  	v6 =	vmul.f32 v6, v8;
	_ =	sdelay $0x1  }
0x13a: {  	[tilespmem:s30+$0xFFFFFFC0] =	vst v6  }
0x13b: {  	v6 =	vld [tilespmem:s29+$0xFFFFFFD0];
	_ =	sdelay $0x2  }
0x13c: {  	v8 =	vbroadcast v7, $0x5;
	_ =	sdelay $0x1  }
0x13d: {  	v6 =	vmul.f32 v6, v8;
	_ =	sdelay $0x1  }
0x13e: {  	[tilespmem:s30+$0xFFFFFFD0] =	vst v6  }
0x13f: {  	v6 =	vld [tilespmem:s29+$0xFFFFFFE0];
	_ =	sdelay $0x2  }
0x140: {  	v8 =	vbroadcast v7, $0x6;
	_ =	sdelay $0x1  }
0x141: {  	v6 =	vmul.f32 v6, v8;
	_ =	sdelay $0x1  }
0x142: {  	[tilespmem:s30+$0xFFFFFFE0] =	vst v6  }
0x143: {  	v6 =	vld [tilespmem:s29+$0xFFFFFFF0];
	_ =	sdelay $0x2  }
0x144: {  	v8 =	vbroadcast v7, $0x7;
	_ =	sdelay $0x1  }
0x145: {  	v6 =	vmul.f32 v6, v8;
	_ =	sdelay $0x1  }
0x146: {  	[tilespmem:s30+$0xFFFFFFF0] =	vst v6  }
0x147: {  	v6 =	vld [tilespmem:s29+$0x0];
	_ =	sdelay $0x2  }
0x148: {  	v8 =	vbroadcast v7, $0x8;
	_ =	sdelay $0x1  }
0x149: {  	v6 =	vmul.f32 v6, v8;
	_ =	sdelay $0x1  }
0x14a: {  	[tilespmem:s30+$0x0] =	vst v6  }
0x14b: {  	v6 =	vld [tilespmem:s29+$0x10];
	_ =	sdelay $0x2  }
0x14c: {  	v8 =	vbroadcast v7, $0x9;
	_ =	sdelay $0x1  }
0x14d: {  	v6 =	vmul.f32 v6, v8;
	_ =	sdelay $0x1  }
0x14e: {  	[tilespmem:s30+$0x10] =	vst v6  }
0x14f: {  	v6 =	vld [tilespmem:s29+$0x20];
	_ =	sdelay $0x2  }
0x150: {  	v8 =	vbroadcast v7, $0xA;
	_ =	sdelay $0x1  }
0x151: {  	v6 =	vmul.f32 v6, v8;
	_ =	sdelay $0x1  }
0x152: {  	[tilespmem:s30+$0x20] =	vst v6  }
0x153: {  	v6 =	vld [tilespmem:s29+$0x30];
	_ =	sdelay $0x2  }
0x154: {  	v8 =	vbroadcast v7, $0xB;
	_ =	sdelay $0x1  }
0x155: {  	v6 =	vmul.f32 v6, v8;
	_ =	sdelay $0x1  }
0x156: {  	[tilespmem:s30+$0x30] =	vst v6  }
0x157: {  	v6 =	vld [tilespmem:s29+$0x40];
	_ =	sdelay $0x2  }
0x158: {  	v8 =	vbroadcast v7, $0xC;
	_ =	sdelay $0x1  }
0x159: {  	v6 =	vmul.f32 v6, v8;
	_ =	sdelay $0x1  }
0x15a: {  	[tilespmem:s30+$0x40] =	vst v6  }
0x15b: {  	v6 =	vld [tilespmem:s29+$0x50];
	_ =	sdelay $0x2  }
0x15c: {  	v8 =	vbroadcast v7, $0xD;
	_ =	sdelay $0x1  }
0x15d: {  	v6 =	vmul.f32 v6, v8;
	_ =	sdelay $0x1  }
0x15e: {  	[tilespmem:s30+$0x50] =	vst v6  }
0x15f: {  	v6 =	vld [tilespmem:s29+$0x60];
	_ =	sdelay $0x2  }
0x160: {  	v8 =	vbroadcast v7, $0xE;
	_ =	sdelay $0x1  }
0x161: {  	v6 =	vmul.f32 v6, v8;
	_ =	sdelay $0x1  }
0x162: {  	[tilespmem:s30+$0x60] =	vst v6  }
0x163: {  	v6 =	vld [tilespmem:s29+$0x70];
	_ =	sdelay $0x2  }
0x164: {  	v7 =	vbroadcast v7, $0xF;
	_ =	sdelay $0x1  }
0x165: {  	s31 =	simm.s32 $0x40;
	s13 =	smov.u32 s0;
	s4 =	simm.s32 $0x9180;
	v6 =	vmul.f32 v6, v7  }
.LBB2_31:
0x166: {  	s13 =	sadd.s32 $0x10, s13;
	s30 =	sadd.s32 $0x100, s30;
	s29 =	sadd.s32 $0x100, s29  }
0x167: {  	s1 =	sshra.s32 s31, $0x2;
	p0 =	sne.s32 s31, $0x3C0;
	s31 =	sadd.s32 $0x40, s31;
	[tilespmem:s4+$0x70] =	vst v6  }
0x168: {  	s4 =	smov.u32 s30;
	v6 =	vld.idx.msk [tilespmem:v5+s1+$0x0 ss:$0x1], $0xffff;
	_ =	sdelay $0x5  }
0x169: {  	v6 =	vshll.u32 v6, $0x4;
	_ =	sdelay $0x3  }
0x16a: {  	v7 =	vld.idx.msk [tilespmem:v2+s1+$0x0 ss:$0x1], $0xffff  }
0x16b: {  	v8 =	vld.idx.msk [tilespmem:v6+s24+$0x0], $0xffff  }
0x16c: {  	v6 =	vld.idx.msk [tilespmem:v6+s25+$0x0], $0xffff;
	_ =	sdelay $0x3  }
0x16d: {  	v9 =	vor.u32 s13, v3  }
0x16e: {  	vm0 =	veq.f32 v7, v8  }
0x16f: {  	vm1 =	vgt.f32 v7, v8;
	vm2 =	vle.s32 v9, v6;
	v7 =	vld [tilespmem:s29+$0xFFFFFF80]  }
0x170: {  	vm0 =	vmand vm0, vm2  }
0x171: {  	vm0 =	vmor vm1, vm0  }
0x172: {  	v6 =	vsel vm0, $0x3F800000, v1  }
0x173: {  	v8 =	vbroadcast v6, $0x0;
	_ =	sdelay $0x1  }
0x174: {  	v7 =	vmul.f32 v8, v7;
	_ =	sdelay $0x1  }
0x175: {  	[tilespmem:s30+$0xFFFFFF80] =	vst v7  }
0x176: {  	v7 =	vld [tilespmem:s29+$0xFFFFFF90];
	_ =	sdelay $0x1  }
0x177: {  	v8 =	vbroadcast v6, $0x1;
	_ =	sdelay $0x2  }
0x178: {  	v7 =	vmul.f32 v8, v7;
	_ =	sdelay $0x1  }
0x179: {  	[tilespmem:s30+$0xFFFFFF90] =	vst v7  }
0x17a: {  	v7 =	vld [tilespmem:s29+$0xFFFFFFA0];
	_ =	sdelay $0x1  }
0x17b: {  	v8 =	vbroadcast v6, $0x2;
	_ =	sdelay $0x2  }
0x17c: {  	v7 =	vmul.f32 v8, v7;
	_ =	sdelay $0x1  }
0x17d: {  	[tilespmem:s30+$0xFFFFFFA0] =	vst v7  }
0x17e: {  	v7 =	vld [tilespmem:s29+$0xFFFFFFB0];
	_ =	sdelay $0x1  }
0x17f: {  	v8 =	vbroadcast v6, $0x3;
	_ =	sdelay $0x2  }
0x180: {  	v7 =	vmul.f32 v7, v8;
	_ =	sdelay $0x1  }
0x181: {  	[tilespmem:s30+$0xFFFFFFB0] =	vst v7  }
0x182: {  	v7 =	vld [tilespmem:s29+$0xFFFFFFC0];
	_ =	sdelay $0x1  }
0x183: {  	v8 =	vbroadcast v6, $0x4;
	_ =	sdelay $0x2  }
0x184: {  	v7 =	vmul.f32 v7, v8;
	_ =	sdelay $0x1  }
0x185: {  	[tilespmem:s30+$0xFFFFFFC0] =	vst v7  }
0x186: {  	v7 =	vld [tilespmem:s29+$0xFFFFFFD0];
	_ =	sdelay $0x1  }
0x187: {  	v8 =	vbroadcast v6, $0x5;
	_ =	sdelay $0x2  }
0x188: {  	v7 =	vmul.f32 v7, v8;
	_ =	sdelay $0x1  }
0x189: {  	[tilespmem:s30+$0xFFFFFFD0] =	vst v7  }
0x18a: {  	v7 =	vld [tilespmem:s29+$0xFFFFFFE0];
	_ =	sdelay $0x1  }
0x18b: {  	v8 =	vbroadcast v6, $0x6;
	_ =	sdelay $0x2  }
0x18c: {  	v7 =	vmul.f32 v7, v8;
	_ =	sdelay $0x1  }
0x18d: {  	[tilespmem:s30+$0xFFFFFFE0] =	vst v7  }
0x18e: {  	v7 =	vld [tilespmem:s29+$0xFFFFFFF0];
	_ =	sdelay $0x1  }
0x18f: {  	v8 =	vbroadcast v6, $0x7;
	_ =	sdelay $0x2  }
0x190: {  	v7 =	vmul.f32 v7, v8;
	_ =	sdelay $0x1  }
0x191: {  	[tilespmem:s30+$0xFFFFFFF0] =	vst v7  }
0x192: {  	v7 =	vld [tilespmem:s29+$0x0];
	_ =	sdelay $0x1  }
0x193: {  	v8 =	vbroadcast v6, $0x8;
	_ =	sdelay $0x2  }
0x194: {  	v7 =	vmul.f32 v7, v8;
	_ =	sdelay $0x1  }
0x195: {  	[tilespmem:s30+$0x0] =	vst v7  }
0x196: {  	v7 =	vld [tilespmem:s29+$0x10];
	_ =	sdelay $0x1  }
0x197: {  	v8 =	vbroadcast v6, $0x9;
	_ =	sdelay $0x2  }
0x198: {  	v7 =	vmul.f32 v7, v8;
	_ =	sdelay $0x1  }
0x199: {  	[tilespmem:s30+$0x10] =	vst v7  }
0x19a: {  	v7 =	vld [tilespmem:s29+$0x20];
	_ =	sdelay $0x1  }
0x19b: {  	v8 =	vbroadcast v6, $0xA;
	_ =	sdelay $0x2  }
0x19c: {  	v7 =	vmul.f32 v7, v8;
	_ =	sdelay $0x1  }
0x19d: {  	[tilespmem:s30+$0x20] =	vst v7  }
0x19e: {  	v7 =	vld [tilespmem:s29+$0x30];
	_ =	sdelay $0x1  }
0x19f: {  	v8 =	vbroadcast v6, $0xB;
	_ =	sdelay $0x2  }
0x1a0: {  	v7 =	vmul.f32 v7, v8;
	_ =	sdelay $0x1  }
0x1a1: {  	[tilespmem:s30+$0x30] =	vst v7  }
0x1a2: {  	v7 =	vld [tilespmem:s29+$0x40];
	_ =	sdelay $0x1  }
0x1a3: {  	v8 =	vbroadcast v6, $0xC;
	_ =	sdelay $0x2  }
0x1a4: {  	v7 =	vmul.f32 v7, v8;
	_ =	sdelay $0x1  }
0x1a5: {  	[tilespmem:s30+$0x40] =	vst v7  }
0x1a6: {  	v7 =	vld [tilespmem:s29+$0x50];
	_ =	sdelay $0x1  }
0x1a7: {  	v8 =	vbroadcast v6, $0xD;
	_ =	sdelay $0x2  }
0x1a8: {  	v7 =	vmul.f32 v7, v8;
	_ =	sdelay $0x1  }
0x1a9: {  	[tilespmem:s30+$0x50] =	vst v7  }
0x1aa: {  	v7 =	vld [tilespmem:s29+$0x60];
	_ =	sdelay $0x1  }
0x1ab: {  	v8 =	vbroadcast v6, $0xE;
	_ =	sdelay $0x2  }
0x1ac: {  	v7 =	vmul.f32 v7, v8;
	_ =	sdelay $0x1  }
0x1ad: {  	[tilespmem:s30+$0x60] =	vst v7  }
0x1ae: {  	v7 =	vld [tilespmem:s29+$0x70]  }
.Ltmp25:
0x1af: {  	(pc) =	sbr.rel @p0 .LBB2_31-.Ltmp25, $2  }
0x1b0: {  	v6 =	vbroadcast v6, $0xF;
	_ =	sdelay $0x2  }
0x1b1: {  	v6 =	vmul.f32 v7, v6  }
.Ltmp26:
0x1b2: {  	(pc) =	sbr.rel .LBB2_33-.Ltmp26, $3  }
0x1b3: {  	_ =	sdelay $0x1  }
0x1b4: {  	s1 =	simm.s32 $0x9100;
	[tilespmem:s4+$0x70] =	vst v6  }
0x1b5: {  	[hbm4b:s11+s3] =	stream.linear.scatter [tilespmem:s1], [sflag:$0x3], $0x1000, $0x38;
	[tilespmem:$0xA4A0] =	vst v63  }
.LBB2_35:
0x1b6: {  	_ =	sfence.sel $0x180000  }
0x1b7: {  	[bflag:$0x0] =	sbarrier.arrive $0xFFFF  }
0x1b8: {  	_ =	strace $0x90000047  }
0x1b9: {  	s0 =	stileid.u32;
	[bflag:$0x2] =	sbarrier.arrive $0xFFFF  }
0x1ba: {  	p0 =	sne.s32 s0, $0x0;
	s0 =	rddreg [dreg:$0x4]  }
0x1bb: {  	s0 =	sadd.s32 @!p0 $0x100000, s0  }
0x1bc: {  	[sflag:s0] =	ssyncadd.tile.s32 @!p0 $0x1;
	_ =	shalt  }
.Lfunc_end2:
_tile_overlayer_lowered:
.L_overlay_start_2:
0x1bd: {  	(tag) =	ssettag $0x2  }
0x1be: {  	s0 =	rddreg [dreg:$0x0];
	s2 =	stileid.u32  }
0x1bf: {  	s1 =	rddreg [dreg:$0x1];
	p0 =	sne.s32 s2, $0x0  }
0x1c0: {  	s3 =	rddreg [dreg:$0x2];
	[bflag:$0x3] =	sbarrier.arrive $0xFFFF;
	s2 =	simm.s32 @!p0 $0x1C03  }
0x1c1: {  	[timem:s3], [sflag:s2] =	dma.local @!p0 [hbm:s0], s1  }
0x1c2: {  	s0 =	simm.s32 @!p0 $0x3  }
0x1c3: {  	_ =	swait.ge @!p0 [sflag:s0], s1  }
0x1c4: {  	s1 =	ssub.s32 @!p0 $0x0, s1;
	[sflag:s0] =	ssyncset.done @!p0 $0x0  }
0x1c5: {  	[sflag:s0] =	ssyncadd.s32 @!p0 s1  }
0x1c6: {  	[bflag:$0x3] =	sbarrier.arrive $0xFFFF  }
0x1c7: {  	_ =	shalt  }

</sc_bundles>
